<compile_context>
chip_gen: v7x
topology: tpu7x:2x2x1
jax: 0.10.2.dev20260603
libtpu: 0.0.44.dev20260713+nightly
codegen_flags: <defaults>
</compile_context>

<pallas_src>
import functools

import numpy as np
import jax
import jax.numpy as jnp
from jax.experimental import pallas as pl
from jax.experimental.pallas import tpu as pltpu

_INV_BN = float(1.0 / np.sqrt(1.0 + 1e-5))



def _fps_body(x_ref, y_ref, z_ref, out_ref, *, npoint, n):
    x = x_ref[...]
    y = y_ref[...]
    z = z_ref[...]
    sub = jax.lax.broadcasted_iota(jnp.int32, x.shape, 0)
    lane = jax.lax.broadcasted_iota(jnp.int32, x.shape, 1)
    flat = sub * x.shape[1] + lane

    def body(i, carry):
        dist, f = carry
        out_ref[pl.ds(i, 1), :] = f.reshape(1, 1)
        r = f // x.shape[1]
        cl = f % x.shape[1]
        lane_row = jax.lax.broadcasted_iota(jnp.int32, (1, x.shape[1]), 1)
        pick = lane_row == cl
        cx = jnp.sum(jnp.where(pick, x_ref[pl.ds(r, 1), :], 0.0))
        cy = jnp.sum(jnp.where(pick, y_ref[pl.ds(r, 1), :], 0.0))
        cz = jnp.sum(jnp.where(pick, z_ref[pl.ds(r, 1), :], 0.0))
        dx = x - cx
        dy = y - cy
        dz = z - cz
        d = dx * dx + dy * dy + dz * dz
        dist = jnp.minimum(dist, d)
        m = jnp.max(dist)
        f2 = jnp.min(jnp.where(dist == m, flat, n)).astype(jnp.int32)
        return dist, f2

    dist0 = jnp.full(x.shape, 1e10, jnp.float32)
    jax.lax.fori_loop(0, npoint, body, (dist0, jnp.int32(0)))


def _fps(xyz_t, npoint):
    n = xyz_t.shape[0]
    cols = 128
    rows = n // cols
    x = xyz_t[:, 0].reshape(rows, cols)
    y = xyz_t[:, 1].reshape(rows, cols)
    z = xyz_t[:, 2].reshape(rows, cols)
    out = pl.pallas_call(
        functools.partial(_fps_body, npoint=npoint, n=n),
        out_shape=jax.ShapeDtypeStruct((npoint, 1), jnp.int32),
    )(x, y, z)
    return out[:, 0]



def _ballq_body(nx_ref, xyzt_ref, out_ref, *, n, r2, nsample):
    nx = nx_ref[...]
    xyzt = xyzt_ref[...]
    mm = jnp.dot(nx, xyzt, preferred_element_type=jnp.float32)
    sq = -2.0 * mm + jnp.sum(nx * nx, axis=1, keepdims=True)
    sq = sq + jnp.sum(xyzt * xyzt, axis=0, keepdims=True)
    mask = sq <= r2
    c = mask.astype(jnp.float32)
    lane_n = jax.lax.broadcasted_iota(jnp.int32, c.shape, 1)
    sh = 1
    while sh < n:
        rolled = pltpu.roll(c, sh, axis=1)
        c = c + jnp.where(lane_n >= sh, rolled, 0.0)
        sh *= 2
    sb = nx.shape[0]
    lane64 = jax.lax.broadcasted_iota(jnp.int32, (sb, nsample), 1)

    def jbody(j, sel):
        jf = j.astype(jnp.float32)
        col = jnp.sum((c <= jf).astype(jnp.float32), axis=1, keepdims=True)
        return sel + jnp.where(lane64 == j, col, 0.0)

    sel = jax.lax.fori_loop(0, nsample, jbody,
                            jnp.zeros((sb, nsample), jnp.float32))
    first = sel[:, 0:1]
    sel = jnp.where(sel >= float(n), first, sel)
    out_ref[...] = sel.astype(jnp.int32)


def _ballq(new_xyz, xyz_t, radius, nsample, s_blk):
    s = new_xyz.shape[0]
    n = xyz_t.shape[0]
    xyzt = xyz_t.T
    return pl.pallas_call(
        functools.partial(_ballq_body, n=n, r2=float(radius * radius),
                          nsample=nsample),
        grid=(s // s_blk,),
        in_specs=[pl.BlockSpec((s_blk, 3), lambda i: (i, 0)),
                  pl.BlockSpec((3, n), lambda i: (0, 0))],
        out_specs=pl.BlockSpec((s_blk, nsample), lambda i: (i, 0)),
        out_shape=jax.ShapeDtypeStruct((s, nsample), jnp.int32),
    )(new_xyz, xyzt)



def _sa_mlp_body(*refs, nlayers, nsample, s_blk):
    x_ref = refs[0]
    out_ref = refs[-1]
    wb = refs[1:-1]
    h = x_ref[0]
    for l in range(nlayers):
        w = wb[2 * l][...]
        b = wb[2 * l + 1][...]
        h = jnp.dot(w, h, preferred_element_type=jnp.float32) + b
        h = jnp.maximum(h, 0.0)
    m = h[:, 0:s_blk]
    for j in range(1, nsample):
        m = jnp.maximum(m, h[:, j * s_blk:(j + 1) * s_blk])
    out_ref[0] = m


def _sa_mlp(x, layers, nsample, s_blk):
    nblk, ci, cols = x.shape
    args = [x]
    in_specs = [pl.BlockSpec((1, ci, cols), lambda i: (i, 0, 0))]
    for (w, b) in layers:
        args += [w, b.reshape(-1, 1)]
        in_specs += [
            pl.BlockSpec(w.shape, lambda i: (0, 0)),
            pl.BlockSpec((w.shape[0], 1), lambda i: (0, 0)),
        ]
    co = layers[-1][0].shape[0]
    out = pl.pallas_call(
        functools.partial(_sa_mlp_body, nlayers=len(layers),
                          nsample=nsample, s_blk=s_blk),
        grid=(nblk,),
        in_specs=in_specs,
        out_specs=pl.BlockSpec((1, co, s_blk), lambda i: (i, 0, 0)),
        out_shape=jax.ShapeDtypeStruct((nblk, co, s_blk), jnp.float32),
    )(*args)
    return out.transpose(1, 0, 2).reshape(co, nblk * s_blk)


def _to_blocks(npts, s_blk):
    s, ns, c = npts.shape
    g = npts.reshape(s // s_blk, s_blk, ns, c)
    return g.transpose(0, 3, 2, 1).reshape(s // s_blk, c, ns * s_blk)



def _mlp_body(*refs, nlayers):
    x_ref = refs[0]
    out_ref = refs[-1]
    wb = refs[1:-1]
    h = x_ref[...]
    for l in range(nlayers):
        h = jnp.dot(wb[2 * l][...], h, preferred_element_type=jnp.float32)
        h = h + wb[2 * l + 1][...]
        h = jnp.maximum(h, 0.0)
    out_ref[...] = h


def _mlp(x, layers, c_blk):
    ci, n = x.shape
    args = [x]
    in_specs = [pl.BlockSpec((ci, c_blk), lambda i: (0, i))]
    for (w, b) in layers:
        args += [w, b.reshape(-1, 1)]
        in_specs += [
            pl.BlockSpec(w.shape, lambda i: (0, 0)),
            pl.BlockSpec((w.shape[0], 1), lambda i: (0, 0)),
        ]
    co = layers[-1][0].shape[0]
    return pl.pallas_call(
        functools.partial(_mlp_body, nlayers=len(layers)),
        grid=(n // c_blk,),
        in_specs=in_specs,
        out_specs=pl.BlockSpec((co, c_blk), lambda i: (0, i)),
        out_shape=jax.ShapeDtypeStruct((co, n), jnp.float32),
    )(*args)



def _sa3_body(*refs, nlayers):
    x_ref = refs[0]
    out_ref = refs[-1]
    wb = refs[1:-1]
    h = x_ref[...]
    for l in range(nlayers):
        h = jnp.dot(wb[2 * l][...], h, preferred_element_type=jnp.float32)
        h = h + wb[2 * l + 1][...]
        h = jnp.maximum(h, 0.0)
    out_ref[...] = jnp.max(h, axis=1, keepdims=True)


def _sa3(x, layers):
    args = [x]
    for (w, b) in layers:
        args += [w, b.reshape(-1, 1)]
    co = layers[-1][0].shape[0]
    return pl.pallas_call(
        functools.partial(_sa3_body, nlayers=len(layers)),
        out_shape=jax.ShapeDtypeStruct((co, 1), jnp.float32),
    )(*args)



def _interp_body(x1_ref, x2t_ref, p2_ref, out_ref, *, s2):
    x1 = x1_ref[...]
    x2t = x2t_ref[...]
    p2 = p2_ref[...]
    mm = jnp.dot(x1, x2t, preferred_element_type=jnp.float32)
    sq = -2.0 * mm + jnp.sum(x1 * x1, axis=1, keepdims=True)
    sq = sq + jnp.sum(x2t * x2t, axis=0, keepdims=True)
    nb = x1.shape[0]
    lane = jax.lax.broadcasted_iota(jnp.int32, (nb, s2), 1)
    cur = sq
    ds = []
    isel = []
    for _ in range(3):
        m = jnp.min(cur, axis=1, keepdims=True)
        ik = jnp.min(jnp.where(cur == m, lane, s2), axis=1, keepdims=True)
        ds.append(m)
        isel.append(ik)
        cur = jnp.where(lane == ik, 1e30, cur)
    r = [1.0 / (d + 1e-8) for d in ds]
    norm = r[0] + r[1] + r[2]
    w = jnp.zeros((nb, s2), jnp.float32)
    for k in range(3):
        w = w + jnp.where(lane == isel[k], r[k] / norm, 0.0)
    out_ref[...] = jnp.dot(w, p2, preferred_element_type=jnp.float32)


def _interp(xyz1, xyz2, p2, n_blk):
    n1 = xyz1.shape[0]
    s2, c2 = p2.shape
    x2t = xyz2.T
    return pl.pallas_call(
        functools.partial(_interp_body, s2=s2),
        grid=(n1 // n_blk,),
        in_specs=[pl.BlockSpec((n_blk, 3), lambda i: (i, 0)),
                  pl.BlockSpec((3, s2), lambda i: (0, 0)),
                  pl.BlockSpec((s2, c2), lambda i: (0, 0))],
        out_specs=pl.BlockSpec((n_blk, c2), lambda i: (i, 0)),
        out_shape=jax.ShapeDtypeStruct((n1, c2), jnp.float32),
    )(xyz1, x2t, p2)



def _head_body(xyz_ref, seg_ref, p_ref, w0a_ref, w0b_ref, w0c_ref, b0_ref,
               w1a_ref, w1b_ref, w1c_ref, b1_ref,
               w2a_ref, w2b_ref, w2c_ref, b2_ref, out_ref):
    a = xyz_ref[...]
    s = seg_ref[...]
    p = p_ref[...]
    h1 = (jnp.dot(w0a_ref[...], a, preferred_element_type=jnp.float32)
          + jnp.dot(w0b_ref[...], s, preferred_element_type=jnp.float32)
          + jnp.dot(w0c_ref[...], p, preferred_element_type=jnp.float32)
          + b0_ref[...])
    h2 = (jnp.dot(w1a_ref[...], a, preferred_element_type=jnp.float32)
          + jnp.dot(w1b_ref[...], s, preferred_element_type=jnp.float32)
          + jnp.dot(w1c_ref[...], h1, preferred_element_type=jnp.float32)
          + b1_ref[...])
    h3 = (jnp.dot(w2a_ref[...], a, preferred_element_type=jnp.float32)
          + jnp.dot(w2b_ref[...], s, preferred_element_type=jnp.float32)
          + jnp.dot(w2c_ref[...], h2, preferred_element_type=jnp.float32)
          + b2_ref[...])
    out_ref[...] = h3


def _head(xyz0, seg, p0, c00, c10, c12, c_blk):
    n = xyz0.shape[1]
    splits = []
    for conv, nfeat in ((c00, 128), (c10, 128), (c12, 64)):
        w = conv['W']
        splits += [w[:, 0:3], w[:, 3:19], w[:, 19:19 + nfeat],
                   conv['b'].reshape(-1, 1)]
    args = [xyz0, seg, p0] + splits
    in_specs = [pl.BlockSpec((3, c_blk), lambda i: (0, i)),
                pl.BlockSpec((16, c_blk), lambda i: (0, i)),
                pl.BlockSpec((128, c_blk), lambda i: (0, i))]
    for a in splits:
        in_specs.append(pl.BlockSpec(a.shape, lambda i: (0, 0)))
    return pl.pallas_call(
        _head_body,
        grid=(n // c_blk,),
        in_specs=in_specs,
        out_specs=pl.BlockSpec((1, c_blk), lambda i: (0, i)),
        out_shape=jax.ShapeDtypeStruct((1, n), jnp.float32),
    )(*args)



def _fold(layer):
    g = layer['gamma'] * _INV_BN
    return layer['W'] * g[:, None], layer['b'] * g + layer['beta']


def kernel(xyz, seg_gt, params):
    xyz0 = xyz[0]
    seg = seg_gt[0]
    xyz_t = xyz0.T
    n = xyz0.shape[1]

    sa1_l = [_fold(l) for l in params['sa1']]
    sa2_l = [_fold(l) for l in params['sa2']]
    sa3_l = [_fold(l) for l in params['sa3']]
    fp3_l = [_fold(l) for l in params['fp3']]
    fp2_l = [_fold(l) for l in params['fp2']]
    fp1_l = [_fold(l) for l in params['fp1']]

    pts0_t = jnp.concatenate([xyz0, seg], axis=0).T
    fps1 = _fps(xyz_t, 4096)
    new_xyz1 = xyz_t[fps1]
    idx1 = _ballq(new_xyz1, xyz_t, 0.2, 64, 16)
    g_xyz1 = xyz_t[idx1] - new_xyz1[:, None, :]
    g_pts1 = pts0_t[idx1]
    npts1 = jnp.concatenate([g_xyz1, g_pts1], axis=-1)
    l1_points = _sa_mlp(_to_blocks(npts1, 64), sa1_l, 64, 64)

    feats1_t = l1_points.T
    fps2 = _fps(new_xyz1, 1024)
    new_xyz2 = new_xyz1[fps2]
    idx2 = _ballq(new_xyz2, new_xyz1, 0.4, 64, 16)
    g_xyz2 = new_xyz1[idx2] - new_xyz2[:, None, :]
    g_pts2 = feats1_t[idx2]
    npts2 = jnp.concatenate([g_xyz2, g_pts2], axis=-1)
    l2_points = _sa_mlp(_to_blocks(npts2, 64), sa2_l, 64, 64)

    x3 = jnp.concatenate([new_xyz2.T, l2_points], axis=0)
    l3_points = _sa3(x3, sa3_l)

    interp3 = jnp.broadcast_to(l3_points, (1024, 1024))
    f3_in = jnp.concatenate([l2_points, interp3], axis=0)
    l2_new = _mlp(f3_in, fp3_l, 1024)

    interp2 = _interp(new_xyz1, new_xyz2, l2_new.T, 64)
    f2_in = jnp.concatenate([l1_points, interp2.T], axis=0)
    l1_new = _mlp(f2_in, fp2_l, 2048)

    p1 = jnp.concatenate([xyz0, xyz0], axis=0)
    interp1 = _interp(xyz_t, new_xyz1, l1_new.T, 64)
    f1_in = jnp.concatenate([p1, interp1.T], axis=0)
    l0_new = _mlp(f1_in, fp1_l, 2048)

    out = _head(xyz0, seg, l0_new, params['conv00'], params['conv10'],
                params['conv12'], 2048)
    return out[None]

# --- scband reference (transcript-rebuilt; emitter-appended) ---
"""Pipeline reference for scband-get-model-36490042147082 (READ-ONLY COPY).

The authoritative reference and input builder live on the scoring server;
editing this copy changes nothing except your own understanding.
"""

import jax, jax.numpy as jnp
import numpy as np

B = 1
N = 8192
NUM_CLASS = 16


def square_distance(src, dst):
    dist = -2.0 * jnp.matmul(src, jnp.transpose(dst, (0, 2, 1)))
    dist = dist + jnp.sum(src ** 2, -1)[:, :, None]
    dist = dist + jnp.sum(dst ** 2, -1)[:, None, :]
    return dist


def index_points(points, idx):
    bidx = jnp.arange(points.shape[0]).reshape((points.shape[0],) + (1,) * (idx.ndim - 1))
    return points[bidx, idx]


def farthest_point_sample(xyz, npoint):
    xyz = jax.lax.stop_gradient(xyz)
    Bq, Nq, _ = xyz.shape
    centroids0 = jnp.zeros((Bq, npoint), dtype=jnp.int32)
    distance0 = jnp.full((Bq, Nq), 1e10, dtype=xyz.dtype)
    farthest0 = jnp.zeros((Bq,), dtype=jnp.int32)

    def body(i, carry):
        centroids, distance, farthest = carry
        centroids = centroids.at[:, i].set(farthest)
        centroid = xyz[jnp.arange(Bq)[:, None], farthest[:, None]]
        dist = jnp.sum((xyz - centroid) ** 2, axis=-1)
        distance = jnp.minimum(distance, dist)
        farthest = jnp.argmax(distance, axis=-1).astype(jnp.int32)
        return (centroids, distance, farthest)

    centroids, _, _ = jax.lax.fori_loop(0, npoint, body, (centroids0, distance0, farthest0))
    return centroids


def query_ball_point(radius, nsample, xyz, new_xyz):
    Bq, Nq, _ = xyz.shape
    S = new_xyz.shape[1]
    sqrdists = square_distance(new_xyz, xyz)
    group_idx = jnp.broadcast_to(jnp.arange(Nq, dtype=jnp.int32), (Bq, S, Nq))
    group_idx = jnp.where(sqrdists > radius ** 2, jnp.int32(Nq), group_idx)
    group_idx = jnp.sort(group_idx, axis=-1)[:, :, :nsample]
    group_first = jnp.broadcast_to(group_idx[:, :, :1], (Bq, S, nsample))
    group_idx = jnp.where(group_idx == Nq, group_first, group_idx)
    return group_idx


def sample_and_group(npoint, radius, nsample, xyz, points):
    fps_idx = farthest_point_sample(xyz, npoint)
    new_xyz = index_points(xyz, fps_idx)
    idx = query_ball_point(radius, nsample, xyz, new_xyz)
    grouped_xyz = index_points(xyz, idx)
    grouped_xyz_norm = grouped_xyz - new_xyz[:, :, None, :]
    if points is not None:
        grouped_points = index_points(points, idx)
        new_points = jnp.concatenate([grouped_xyz_norm, grouped_points], axis=-1)
    else:
        new_points = grouped_xyz_norm
    return new_xyz, new_points


def sample_and_group_all(xyz, points):
    Bq, Nq, _ = xyz.shape
    new_xyz = jnp.zeros((Bq, 1, 3), dtype=xyz.dtype)
    grouped_xyz = xyz[:, None, :, :]
    if points is not None:
        new_points = jnp.concatenate([grouped_xyz, points[:, None, :, :]], axis=-1)
    else:
        new_points = grouped_xyz
    return new_xyz, new_points


def bn_eval(x, gamma, beta):
    shape = (1, -1) + (1,) * (x.ndim - 2)
    inv = 1.0 / jnp.sqrt(1.0 + 1e-5)
    return x * inv * gamma.reshape(shape) + beta.reshape(shape)


def conv1x1(x, W, b):
    y = jnp.einsum('oi,bi...->bo...', W, x)
    return y + b.reshape((1, -1) + (1,) * (x.ndim - 2))


def set_abstraction(xyz, points, layers, npoint, radius, nsample, group_all):
    xyz_t = jnp.transpose(xyz, (0, 2, 1))
    points_t = jnp.transpose(points, (0, 2, 1)) if points is not None else None
    if group_all:
        new_xyz, new_points = sample_and_group_all(xyz_t, points_t)
    else:
        new_xyz, new_points = sample_and_group(npoint, radius, nsample, xyz_t, points_t)
    x = jnp.transpose(new_points, (0, 3, 2, 1))
    for layer in layers:
        x = jax.nn.relu(bn_eval(conv1x1(x, layer['W'], layer['b']), layer['gamma'], layer['beta']))
    x = jnp.max(x, axis=2)
    return jnp.transpose(new_xyz, (0, 2, 1)), x


def feature_propagation(xyz1, xyz2, points1, points2, layers):
    xyz1_t = jnp.transpose(xyz1, (0, 2, 1))
    xyz2_t = jnp.transpose(xyz2, (0, 2, 1))
    points2_t = jnp.transpose(points2, (0, 2, 1))
    Bq, Nq, _ = xyz1_t.shape
    S = xyz2_t.shape[1]
    if S == 1:
        interpolated = jnp.broadcast_to(points2_t, (Bq, Nq, points2_t.shape[2]))
    else:
        dists = square_distance(xyz1_t, xyz2_t)
        idx = jnp.argsort(dists, axis=-1)[:, :, :3]
        d = jnp.take_along_axis(dists, idx, axis=-1)
        dist_recip = 1.0 / (d + 1e-8)
        norm = jnp.sum(dist_recip, axis=2, keepdims=True)
        weight = dist_recip / norm
        interpolated = jnp.sum(index_points(points2_t, idx) * weight[:, :, :, None], axis=2)
    if points1 is not None:
        points1_t = jnp.transpose(points1, (0, 2, 1))
        new_points = jnp.concatenate([points1_t, interpolated], axis=-1)
    else:
        new_points = interpolated
    x = jnp.transpose(new_points, (0, 2, 1))
    for layer in layers:
        x = jax.nn.relu(bn_eval(conv1x1(x, layer['W'], layer['b']), layer['gamma'], layer['beta']))
    return x


def _make_conv(key, cin, cout, bn=True):
    k1, k2 = jax.random.split(key)
    s = 1.0 / np.sqrt(cin)
    p = {'W': jax.random.uniform(k1, (cout, cin), minval=-s, maxval=s, dtype=jnp.float32),
         'b': jax.random.uniform(k2, (cout,), minval=-s, maxval=s, dtype=jnp.float32)}
    if bn:
        p['gamma'] = jnp.ones((cout,), dtype=jnp.float32)
        p['beta'] = jnp.zeros((cout,), dtype=jnp.float32)
    return p


def _make_mlp(key, cin, channels, bn=True):
    layers = []
    last = cin
    for i, c in enumerate(channels):
        layers.append(_make_conv(jax.random.fold_in(key, i), last, c, bn))
        last = c
    return layers


def setup_inputs(seed: int = 0):
    key = jax.random.key(seed)
    ks = jax.random.split(key, 12)
    xyz = jax.random.normal(ks[0], (B, 3, N), dtype=jnp.float32)
    seg_gt = jax.random.uniform(ks[1], (B, NUM_CLASS, N), dtype=jnp.float32)
    params = {
        'sa1': _make_mlp(ks[2], 6 + NUM_CLASS, [64, 64, 128]),
        'sa2': _make_mlp(ks[3], 128 + 3, [128, 128, 256]),
        'sa3': _make_mlp(ks[4], 256 + 3, [256, 512, 1024]),
        'fp3': _make_mlp(ks[5], 1280, [256, 256]),
        'fp2': _make_mlp(ks[6], 384, [256, 128]),
        'fp1': _make_mlp(ks[7], 128 + 6, [128, 128, 128]),
        'conv00': _make_conv(ks[8], 128 + 3 + NUM_CLASS, 128, bn=False),
        'conv10': _make_conv(ks[9], 128 + 3 + NUM_CLASS, 64, bn=False),
        'conv12': _make_conv(ks[10], 64 + 3 + NUM_CLASS, 1, bn=False),
    }
    return {'xyz': xyz, 'seg_gt': seg_gt, 'params': params}


def _forward(xyz, seg_gt, params):
    l0_points = xyz
    l0_xyz = xyz[:, :3, :]
    l0_points00 = jnp.concatenate([l0_points, seg_gt], axis=1)
    l1_xyz, l1_points = set_abstraction(l0_xyz, l0_points00, params['sa1'], 4096, 0.2, 64, False)
    l2_xyz, l2_points = set_abstraction(l1_xyz, l1_points, params['sa2'], 1024, 0.4, 64, False)
    l3_xyz, l3_points = set_abstraction(l2_xyz, l2_points, params['sa3'], None, None, None, True)
    l2_points = feature_propagation(l2_xyz, l3_xyz, l2_points, l3_points, params['fp3'])
    l1_points = feature_propagation(l1_xyz, l2_xyz, l1_points, l2_points, params['fp2'])
    l0_points0 = feature_propagation(l0_xyz, l1_xyz, jnp.concatenate([l0_xyz, l0_points], axis=1), l1_points, params['fp1'])
    net = jnp.concatenate([l0_xyz, seg_gt, l0_points0], axis=1)
    net = conv1x1(net, params['conv00']['W'], params['conv00']['b'])
    net = jnp.concatenate([l0_xyz, seg_gt, net], axis=1)
    net = conv1x1(net, params['conv10']['W'], params['conv10']['b'])
    net = jnp.concatenate([l0_xyz, seg_gt, net], axis=1)
    heatmap1 = conv1x1(net, params['conv12']['W'], params['conv12']['b'])
    return heatmap1


def reference(xyz, seg_gt, params):
    return _forward(xyz, seg_gt, params)

if __name__ == "__main__":
    import jax
    _d = setup_inputs()
    print(jax.jit(kernel)(*tuple(_d.values())))

</pallas_src>

<mosaic_0001>
module attributes {stable_mosaic.version = 14 : i64} {
  func.func @_fps_body(%arg0: memref<64x128xf32, #tpu.memory_space<vmem>>, %arg1: memref<64x128xf32, #tpu.memory_space<vmem>>, %arg2: memref<64x128xf32, #tpu.memory_space<vmem>>, %arg3: memref<4096x1xi32, #tpu.memory_space<vmem>>) attributes {dimension_semantics = [], scalar_prefetch = 0 : i64, scratch_operands = 0 : i64, tpu.core_type = #tpu.core_type<tc>} {
    %get3A = arith.constant 0 : index
    %get3A_0 = arith.constant 0 : index
    %get3A_1 = vector.load %arg0[%get3A, %get3A_0] : memref<64x128xf32, #tpu.memory_space<vmem>>, vector<64x128xf32>
    %get3A_2 = arith.constant 0 : index
    %get3A_3 = arith.constant 0 : index
    %get3A_4 = vector.load %arg1[%get3A_2, %get3A_3] : memref<64x128xf32, #tpu.memory_space<vmem>>, vector<64x128xf32>
    %get3A_5 = arith.constant 0 : index
    %get3A_6 = arith.constant 0 : index
    %get3A_7 = vector.load %arg2[%get3A_5, %get3A_6] : memref<64x128xf32, #tpu.memory_space<vmem>>, vector<64x128xf32>
    %iota3A = tpu.iota {dimensions = array<i32: 0>} : vector<64x128xi32>
    %iota3A_8 = tpu.iota {dimensions = array<i32: 1>} : vector<64x128xi32>
    %mul3A = arith.constant 128 : i32
    %mul3A_9 = vector.broadcast %mul3A : i32 to vector<64x128xi32>
    %mul3A_10 = arith.muli %iota3A, %mul3A_9 : vector<64x128xi32>
    %add3A = arith.addi %mul3A_10, %iota3A_8 : vector<64x128xi32>
    %broadcast_in_dim3A = arith.constant 1.000000e+10 : f32
    %broadcast_in_dim3A_11 = vector.broadcast %broadcast_in_dim3A : f32 to vector<64x128xf32>
    %scan3A = arith.constant 0 : i32
    %scan3A_12 = arith.constant 0 : i32
    %scan3A_13 = arith.constant 4096 : i32
    %scan3A_14 = arith.addi %scan3A_12, %scan3A_13 : i32
    %scan3A_15 = arith.constant 1 : i32
    %scan3A_16:2 = scf.for %scan3A_18 = %scan3A_12 to %scan3A_14 step %scan3A_15 iter_args(%scan3A_19 = %broadcast_in_dim3A_11, %scan3A_20 = %scan3A) -> (vector<64x128xf32>, i32)  : i32 {
      %reshape3A = vector.broadcast %scan3A_20 : i32 to vector<1x1xi32>
      %swap3A = arith.index_cast %scan3A_18 : i32 to index
      %swap3A_21 = arith.constant 0 : index
      %swap3A_22 = vector.load %arg3[%swap3A, %swap3A_21] : memref<4096x1xi32, #tpu.memory_space<vmem>>, vector<1x1xi32>
      tpu.vector_store %arg3[%swap3A, %swap3A_21], %reshape3A {strides = array<i32>} : memref<4096x1xi32, #tpu.memory_space<vmem>>, vector<1x1xi32>,
      %jit3A = arith.constant 128 : i32
      %div3A = arith.divsi %scan3A_20, %jit3A : i32
      %sign3A = arith.constant 0 : i32
      %sign3A_23 = arith.cmpi sgt, %scan3A_20, %sign3A : i32
      %sign3A_24 = arith.extui %sign3A_23 : i1 to i32
      %sign3A_25 = arith.constant 0 : i32
      %sign3A_26 = arith.cmpi slt, %scan3A_20, %sign3A_25 : i32
      %sign3A_27 = arith.extui %sign3A_26 : i1 to i32
      %sign3A_28 = arith.subi %sign3A_24, %sign3A_27 : i32
      %sign3A_29 = arith.constant 0 : i32
      %sign3A_30 = arith.cmpi sgt, %jit3A, %sign3A_29 : i32
      %sign3A_31 = arith.extui %sign3A_30 : i1 to i32
      %sign3A_32 = arith.constant 0 : i32
      %sign3A_33 = arith.cmpi slt, %jit3A, %sign3A_32 : i32
      %sign3A_34 = arith.extui %sign3A_33 : i1 to i32
      %sign3A_35 = arith.subi %sign3A_31, %sign3A_34 : i32
      %ne3A = arith.cmpi ne, %sign3A_28, %sign3A_35 : i32
      %rem3A = arith.remsi %scan3A_20, %jit3A : i32
      %ne3A_36 = arith.constant 0 : i32
      %ne3A_37 = arith.cmpi ne, %rem3A, %ne3A_36 : i32
      %and3A = arith.andi %ne3A, %ne3A_37 : i1
      %sub3A = arith.constant 1 : i32
      %sub3A_38 = arith.subi %div3A, %sub3A : i32
      %select_n3A = arith.select %and3A, %sub3A_38, %div3A : i32
      %jit3A_39 = arith.constant 128 : i32
      %eq3A = arith.constant 0 : i32
      %eq3A_40 = arith.cmpi eq, %jit3A_39, %eq3A : i32
      %jit3A_41 = arith.constant 1 : i32
      %select_n3A_42 = arith.select %eq3A_40, %jit3A_41, %jit3A_39 : i32
      %rem3A_43 = arith.remsi %scan3A_20, %select_n3A_42 : i32
      %ne3A_44 = arith.constant 0 : i32
      %ne3A_45 = arith.cmpi ne, %rem3A_43, %ne3A_44 : i32
      %lt3A = arith.constant 0 : i32
      %lt3A_46 = arith.cmpi slt, %rem3A_43, %lt3A : i32
      %lt3A_47 = arith.constant 0 : i32
      %lt3A_48 = arith.cmpi slt, %select_n3A_42, %lt3A_47 : i32
      %ne3A_49 = arith.xori %lt3A_46, %lt3A_48 : i1
      %and3A_50 = arith.andi %ne3A_49, %ne3A_45 : i1
      %add3A_51 = arith.addi %rem3A_43, %select_n3A_42 : i32
      %select_n3A_52 = arith.select %and3A_50, %add3A_51, %rem3A_43 : i32
      %iota3A_53 = tpu.iota {dimensions = array<i32: 1>} : vector<1x128xi32>
      %eq3A_54 = vector.broadcast %select_n3A_52 : i32 to vector<1x128xi32>
      %eq3A_55 = arith.cmpi eq, %iota3A_53, %eq3A_54 : vector<1x128xi32>
      %get3A_56 = arith.index_cast %select_n3A : i32 to index
      %get3A_57 = arith.constant 0 : index
      %get3A_58 = vector.load %arg0[%get3A_56, %get3A_57] : memref<64x128xf32, #tpu.memory_space<vmem>>, vector<1x128xf32>
      %jit3A_59 = arith.constant 0.000000e+00 : f32
      %broadcast_in_dim3A_60 = vector.broadcast %jit3A_59 : f32 to vector<1x128xf32>
      %select_n3A_61 = arith.select %eq3A_55, %get3A_58, %broadcast_in_dim3A_60 : vector<1x128xi1>, vector<1x128xf32>
      %reduce_sum3A = vector.shape_cast %select_n3A_61 : vector<1x128xf32> to vector<1x1x128xf32>
      %reduce_sum3A_62 = arith.constant dense<0.000000e+00> : vector<1xf32>
      %reduce_sum3A_63 = vector.multi_reduction <add>, %reduce_sum3A, %reduce_sum3A_62 [1, 2] : vector<1x1x128xf32> to vector<1xf32>
      %reduce_sum3A_64 = vector.shape_cast %reduce_sum3A_63 : vector<1xf32> to vector<1x1x1xf32>
      %reduce_sum3A_65 = vector.extract %reduce_sum3A_64[0, 0, 0] : f32 from vector<1x1x1xf32>
      %get3A_66 = arith.index_cast %select_n3A : i32 to index
      %get3A_67 = arith.constant 0 : index
      %get3A_68 = vector.load %arg1[%get3A_66, %get3A_67] : memref<64x128xf32, #tpu.memory_space<vmem>>, vector<1x128xf32>
      %jit3A_69 = arith.constant 0.000000e+00 : f32
      %broadcast_in_dim3A_70 = vector.broadcast %jit3A_69 : f32 to vector<1x128xf32>
      %select_n3A_71 = arith.select %eq3A_55, %get3A_68, %broadcast_in_dim3A_70 : vector<1x128xi1>, vector<1x128xf32>
      %reduce_sum3A_72 = vector.shape_cast %select_n3A_71 : vector<1x128xf32> to vector<1x1x128xf32>
      %reduce_sum3A_73 = arith.constant dense<0.000000e+00> : vector<1xf32>
      %reduce_sum3A_74 = vector.multi_reduction <add>, %reduce_sum3A_72, %reduce_sum3A_73 [1, 2] : vector<1x1x128xf32> to vector<1xf32>
      %reduce_sum3A_75 = vector.shape_cast %reduce_sum3A_74 : vector<1xf32> to vector<1x1x1xf32>
      %reduce_sum3A_76 = vector.extract %reduce_sum3A_75[0, 0, 0] : f32 from vector<1x1x1xf32>
      %get3A_77 = arith.index_cast %select_n3A : i32 to index
      %get3A_78 = arith.constant 0 : index
      %get3A_79 = vector.load %arg2[%get3A_77, %get3A_78] : memref<64x128xf32, #tpu.memory_space<vmem>>, vector<1x128xf32>
      %jit3A_80 = arith.constant 0.000000e+00 : f32
      %broadcast_in_dim3A_81 = vector.broadcast %jit3A_80 : f32 to vector<1x128xf32>
      %select_n3A_82 = arith.select %eq3A_55, %get3A_79, %broadcast_in_dim3A_81 : vector<1x128xi1>, vector<1x128xf32>
      %reduce_sum3A_83 = vector.shape_cast %select_n3A_82 : vector<1x128xf32> to vector<1x1x128xf32>
      %reduce_sum3A_84 = arith.constant dense<0.000000e+00> : vector<1xf32>
      %reduce_sum3A_85 = vector.multi_reduction <add>, %reduce_sum3A_83, %reduce_sum3A_84 [1, 2] : vector<1x1x128xf32> to vector<1xf32>
      %reduce_sum3A_86 = vector.shape_cast %reduce_sum3A_85 : vector<1xf32> to vector<1x1x1xf32>
      %reduce_sum3A_87 = vector.extract %reduce_sum3A_86[0, 0, 0] : f32 from vector<1x1x1xf32>
      %sub3A_88 = vector.broadcast %reduce_sum3A_65 : f32 to vector<64x128xf32>
      %sub3A_89 = arith.subf %get3A_1, %sub3A_88 : vector<64x128xf32>
      %sub3A_90 = vector.broadcast %reduce_sum3A_76 : f32 to vector<64x128xf32>
      %sub3A_91 = arith.subf %get3A_4, %sub3A_90 : vector<64x128xf32>
      %sub3A_92 = vector.broadcast %reduce_sum3A_87 : f32 to vector<64x128xf32>
      %sub3A_93 = arith.subf %get3A_7, %sub3A_92 : vector<64x128xf32>
      %mul3A_94 = arith.mulf %sub3A_89, %sub3A_89 : vector<64x128xf32>
      %mul3A_95 = arith.mulf %sub3A_91, %sub3A_91 : vector<64x128xf32>
      %add3A_96 = arith.addf %mul3A_94, %mul3A_95 : vector<64x128xf32>
      %mul3A_97 = arith.mulf %sub3A_93, %sub3A_93 : vector<64x128xf32>
      %add3A_98 = arith.addf %add3A_96, %mul3A_97 : vector<64x128xf32>
      %min3A = arith.minimumf %scan3A_19, %add3A_98 : vector<64x128xf32>
      %reduce_max3A = vector.shape_cast %min3A : vector<64x128xf32> to vector<1x64x128xf32>
      %reduce_max3A_99 = arith.constant dense<0xFF800000> : vector<1xf32>
      %reduce_max3A_100 = vector.multi_reduction <maximumf>, %reduce_max3A, %reduce_max3A_99 [1, 2] : vector<1x64x128xf32> to vector<1xf32>
      %reduce_max3A_101 = vector.shape_cast %reduce_max3A_100 : vector<1xf32> to vector<1x1x1xf32>
      %reduce_max3A_102 = vector.extract %reduce_max3A_101[0, 0, 0] : f32 from vector<1x1x1xf32>
      %eq3A_103 = vector.broadcast %reduce_max3A_102 : f32 to vector<64x128xf32>
      %eq3A_104 = arith.cmpf oeq, %min3A, %eq3A_103 : vector<64x128xf32>
      %jit3A_105 = arith.constant 8192 : i32
      %broadcast_in_dim3A_106 = vector.broadcast %jit3A_105 : i32 to vector<64x128xi32>
      %select_n3A_107 = arith.select %eq3A_104, %add3A, %broadcast_in_dim3A_106 : vector<64x128xi1>, vector<64x128xi32>
      %reduce_min3A = vector.shape_cast %select_n3A_107 : vector<64x128xi32> to vector<1x64x128xi32>
      %reduce_min3A_108 = arith.constant dense<2147483647> : vector<1xi32>
      %reduce_min3A_109 = vector.multi_reduction <minsi>, %reduce_min3A, %reduce_min3A_108 [1, 2] : vector<1x64x128xi32> to vector<1xi32>
      %reduce_min3A_110 = vector.shape_cast %reduce_min3A_109 : vector<1xi32> to vector<1x1x1xi32>
      %reduce_min3A_111 = vector.extract %reduce_min3A_110[0, 0, 0] : i32 from vector<1x1x1xi32>
      scf.yield %min3A, %reduce_min3A_111 : vector<64x128xf32>, i32
    }
    %scan3A_17 = arith.constant 4096 : i32
    return
  }
}

module attributes {stable_mosaic.version = 14 : i64} {
  func.func @_fps_body(%arg0: memref<32x128xf32, #tpu.memory_space<vmem>>, %arg1: memref<32x128xf32, #tpu.memory_space<vmem>>, %arg2: memref<32x128xf32, #tpu.memory_space<vmem>>, %arg3: memref<1024x1xi32, #tpu.memory_space<vmem>>) attributes {dimension_semantics = [], scalar_prefetch = 0 : i64, scratch_operands = 0 : i64, tpu.core_type = #tpu.core_type<tc>} {
    %get3A = arith.constant 0 : index
    %get3A_0 = arith.constant 0 : index
    %get3A_1 = vector.load %arg0[%get3A, %get3A_0] : memref<32x128xf32, #tpu.memory_space<vmem>>, vector<32x128xf32>
    %get3A_2 = arith.constant 0 : index
    %get3A_3 = arith.constant 0 : index
    %get3A_4 = vector.load %arg1[%get3A_2, %get3A_3] : memref<32x128xf32, #tpu.memory_space<vmem>>, vector<32x128xf32>
    %get3A_5 = arith.constant 0 : index
    %get3A_6 = arith.constant 0 : index
    %get3A_7 = vector.load %arg2[%get3A_5, %get3A_6] : memref<32x128xf32, #tpu.memory_space<vmem>>, vector<32x128xf32>
    %iota3A = tpu.iota {dimensions = array<i32: 0>} : vector<32x128xi32>
    %iota3A_8 = tpu.iota {dimensions = array<i32: 1>} : vector<32x128xi32>
    %mul3A = arith.constant 128 : i32
    %mul3A_9 = vector.broadcast %mul3A : i32 to vector<32x128xi32>
    %mul3A_10 = arith.muli %iota3A, %mul3A_9 : vector<32x128xi32>
    %add3A = arith.addi %mul3A_10, %iota3A_8 : vector<32x128xi32>
    %broadcast_in_dim3A = arith.constant 1.000000e+10 : f32
    %broadcast_in_dim3A_11 = vector.broadcast %broadcast_in_dim3A : f32 to vector<32x128xf32>
    %scan3A = arith.constant 0 : i32
    %scan3A_12 = arith.constant 0 : i32
    %scan3A_13 = arith.constant 1024 : i32
    %scan3A_14 = arith.addi %scan3A_12, %scan3A_13 : i32
    %scan3A_15 = arith.constant 1 : i32
    %scan3A_16:2 = scf.for %scan3A_18 = %scan3A_12 to %scan3A_14 step %scan3A_15 iter_args(%scan3A_19 = %broadcast_in_dim3A_11, %scan3A_20 = %scan3A) -> (vector<32x128xf32>, i32)  : i32 {
      %reshape3A = vector.broadcast %scan3A_20 : i32 to vector<1x1xi32>
      %swap3A = arith.index_cast %scan3A_18 : i32 to index
      %swap3A_21 = arith.constant 0 : index
      %swap3A_22 = vector.load %arg3[%swap3A, %swap3A_21] : memref<1024x1xi32, #tpu.memory_space<vmem>>, vector<1x1xi32>
      tpu.vector_store %arg3[%swap3A, %swap3A_21], %reshape3A {strides = array<i32>} : memref<1024x1xi32, #tpu.memory_space<vmem>>, vector<1x1xi32>,
      %jit3A = arith.constant 128 : i32
      %div3A = arith.divsi %scan3A_20, %jit3A : i32
      %sign3A = arith.constant 0 : i32
      %sign3A_23 = arith.cmpi sgt, %scan3A_20, %sign3A : i32
      %sign3A_24 = arith.extui %sign3A_23 : i1 to i32
      %sign3A_25 = arith.constant 0 : i32
      %sign3A_26 = arith.cmpi slt, %scan3A_20, %sign3A_25 : i32
      %sign3A_27 = arith.extui %sign3A_26 : i1 to i32
      %sign3A_28 = arith.subi %sign3A_24, %sign3A_27 : i32
      %sign3A_29 = arith.constant 0 : i32
      %sign3A_30 = arith.cmpi sgt, %jit3A, %sign3A_29 : i32
      %sign3A_31 = arith.extui %sign3A_30 : i1 to i32
      %sign3A_32 = arith.constant 0 : i32
      %sign3A_33 = arith.cmpi slt, %jit3A, %sign3A_32 : i32
      %sign3A_34 = arith.extui %sign3A_33 : i1 to i32
      %sign3A_35 = arith.subi %sign3A_31, %sign3A_34 : i32
      %ne3A = arith.cmpi ne, %sign3A_28, %sign3A_35 : i32
      %rem3A = arith.remsi %scan3A_20, %jit3A : i32
      %ne3A_36 = arith.constant 0 : i32
      %ne3A_37 = arith.cmpi ne, %rem3A, %ne3A_36 : i32
      %and3A = arith.andi %ne3A, %ne3A_37 : i1
      %sub3A = arith.constant 1 : i32
      %sub3A_38 = arith.subi %div3A, %sub3A : i32
      %select_n3A = arith.select %and3A, %sub3A_38, %div3A : i32
      %jit3A_39 = arith.constant 128 : i32
      %eq3A = arith.constant 0 : i32
      %eq3A_40 = arith.cmpi eq, %jit3A_39, %eq3A : i32
      %jit3A_41 = arith.constant 1 : i32
      %select_n3A_42 = arith.select %eq3A_40, %jit3A_41, %jit3A_39 : i32
      %rem3A_43 = arith.remsi %scan3A_20, %select_n3A_42 : i32
      %ne3A_44 = arith.constant 0 : i32
      %ne3A_45 = arith.cmpi ne, %rem3A_43, %ne3A_44 : i32
      %lt3A = arith.constant 0 : i32
      %lt3A_46 = arith.cmpi slt, %rem3A_43, %lt3A : i32
      %lt3A_47 = arith.constant 0 : i32
      %lt3A_48 = arith.cmpi slt, %select_n3A_42, %lt3A_47 : i32
      %ne3A_49 = arith.xori %lt3A_46, %lt3A_48 : i1
      %and3A_50 = arith.andi %ne3A_49, %ne3A_45 : i1
      %add3A_51 = arith.addi %rem3A_43, %select_n3A_42 : i32
      %select_n3A_52 = arith.select %and3A_50, %add3A_51, %rem3A_43 : i32
      %iota3A_53 = tpu.iota {dimensions = array<i32: 1>} : vector<1x128xi32>
      %eq3A_54 = vector.broadcast %select_n3A_52 : i32 to vector<1x128xi32>
      %eq3A_55 = arith.cmpi eq, %iota3A_53, %eq3A_54 : vector<1x128xi32>
      %get3A_56 = arith.index_cast %select_n3A : i32 to index
      %get3A_57 = arith.constant 0 : index
      %get3A_58 = vector.load %arg0[%get3A_56, %get3A_57] : memref<32x128xf32, #tpu.memory_space<vmem>>, vector<1x128xf32>
      %jit3A_59 = arith.constant 0.000000e+00 : f32
      %broadcast_in_dim3A_60 = vector.broadcast %jit3A_59 : f32 to vector<1x128xf32>
      %select_n3A_61 = arith.select %eq3A_55, %get3A_58, %broadcast_in_dim3A_60 : vector<1x128xi1>, vector<1x128xf32>
      %reduce_sum3A = vector.shape_cast %select_n3A_61 : vector<1x128xf32> to vector<1x1x128xf32>
      %reduce_sum3A_62 = arith.constant dense<0.000000e+00> : vector<1xf32>
      %reduce_sum3A_63 = vector.multi_reduction <add>, %reduce_sum3A, %reduce_sum3A_62 [1, 2] : vector<1x1x128xf32> to vector<1xf32>
      %reduce_sum3A_64 = vector.shape_cast %reduce_sum3A_63 : vector<1xf32> to vector<1x1x1xf32>
      %reduce_sum3A_65 = vector.extract %reduce_sum3A_64[0, 0, 0] : f32 from vector<1x1x1xf32>
      %get3A_66 = arith.index_cast %select_n3A : i32 to index
      %get3A_67 = arith.constant 0 : index
      %get3A_68 = vector.load %arg1[%get3A_66, %get3A_67] : memref<32x128xf32, #tpu.memory_space<vmem>>, vector<1x128xf32>
      %jit3A_69 = arith.constant 0.000000e+00 : f32
      %broadcast_in_dim3A_70 = vector.broadcast %jit3A_69 : f32 to vector<1x128xf32>
      %select_n3A_71 = arith.select %eq3A_55, %get3A_68, %broadcast_in_dim3A_70 : vector<1x128xi1>, vector<1x128xf32>
      %reduce_sum3A_72 = vector.shape_cast %select_n3A_71 : vector<1x128xf32> to vector<1x1x128xf32>
      %reduce_sum3A_73 = arith.constant dense<0.000000e+00> : vector<1xf32>
      %reduce_sum3A_74 = vector.multi_reduction <add>, %reduce_sum3A_72, %reduce_sum3A_73 [1, 2] : vector<1x1x128xf32> to vector<1xf32>
      %reduce_sum3A_75 = vector.shape_cast %reduce_sum3A_74 : vector<1xf32> to vector<1x1x1xf32>
      %reduce_sum3A_76 = vector.extract %reduce_sum3A_75[0, 0, 0] : f32 from vector<1x1x1xf32>
      %get3A_77 = arith.index_cast %select_n3A : i32 to index
      %get3A_78 = arith.constant 0 : index
      %get3A_79 = vector.load %arg2[%get3A_77, %get3A_78] : memref<32x128xf32, #tpu.memory_space<vmem>>, vector<1x128xf32>
      %jit3A_80 = arith.constant 0.000000e+00 : f32
      %broadcast_in_dim3A_81 = vector.broadcast %jit3A_80 : f32 to vector<1x128xf32>
      %select_n3A_82 = arith.select %eq3A_55, %get3A_79, %broadcast_in_dim3A_81 : vector<1x128xi1>, vector<1x128xf32>
      %reduce_sum3A_83 = vector.shape_cast %select_n3A_82 : vector<1x128xf32> to vector<1x1x128xf32>
      %reduce_sum3A_84 = arith.constant dense<0.000000e+00> : vector<1xf32>
      %reduce_sum3A_85 = vector.multi_reduction <add>, %reduce_sum3A_83, %reduce_sum3A_84 [1, 2] : vector<1x1x128xf32> to vector<1xf32>
      %reduce_sum3A_86 = vector.shape_cast %reduce_sum3A_85 : vector<1xf32> to vector<1x1x1xf32>
      %reduce_sum3A_87 = vector.extract %reduce_sum3A_86[0, 0, 0] : f32 from vector<1x1x1xf32>
      %sub3A_88 = vector.broadcast %reduce_sum3A_65 : f32 to vector<32x128xf32>
      %sub3A_89 = arith.subf %get3A_1, %sub3A_88 : vector<32x128xf32>
      %sub3A_90 = vector.broadcast %reduce_sum3A_76 : f32 to vector<32x128xf32>
      %sub3A_91 = arith.subf %get3A_4, %sub3A_90 : vector<32x128xf32>
      %sub3A_92 = vector.broadcast %reduce_sum3A_87 : f32 to vector<32x128xf32>
      %sub3A_93 = arith.subf %get3A_7, %sub3A_92 : vector<32x128xf32>
      %mul3A_94 = arith.mulf %sub3A_89, %sub3A_89 : vector<32x128xf32>
      %mul3A_95 = arith.mulf %sub3A_91, %sub3A_91 : vector<32x128xf32>
      %add3A_96 = arith.addf %mul3A_94, %mul3A_95 : vector<32x128xf32>
      %mul3A_97 = arith.mulf %sub3A_93, %sub3A_93 : vector<32x128xf32>
      %add3A_98 = arith.addf %add3A_96, %mul3A_97 : vector<32x128xf32>
      %min3A = arith.minimumf %scan3A_19, %add3A_98 : vector<32x128xf32>
      %reduce_max3A = vector.shape_cast %min3A : vector<32x128xf32> to vector<1x32x128xf32>
      %reduce_max3A_99 = arith.constant dense<0xFF800000> : vector<1xf32>
      %reduce_max3A_100 = vector.multi_reduction <maximumf>, %reduce_max3A, %reduce_max3A_99 [1, 2] : vector<1x32x128xf32> to vector<1xf32>
      %reduce_max3A_101 = vector.shape_cast %reduce_max3A_100 : vector<1xf32> to vector<1x1x1xf32>
      %reduce_max3A_102 = vector.extract %reduce_max3A_101[0, 0, 0] : f32 from vector<1x1x1xf32>
      %eq3A_103 = vector.broadcast %reduce_max3A_102 : f32 to vector<32x128xf32>
      %eq3A_104 = arith.cmpf oeq, %min3A, %eq3A_103 : vector<32x128xf32>
      %jit3A_105 = arith.constant 4096 : i32
      %broadcast_in_dim3A_106 = vector.broadcast %jit3A_105 : i32 to vector<32x128xi32>
      %select_n3A_107 = arith.select %eq3A_104, %add3A, %broadcast_in_dim3A_106 : vector<32x128xi1>, vector<32x128xi32>
      %reduce_min3A = vector.shape_cast %select_n3A_107 : vector<32x128xi32> to vector<1x32x128xi32>
      %reduce_min3A_108 = arith.constant dense<2147483647> : vector<1xi32>
      %reduce_min3A_109 = vector.multi_reduction <minsi>, %reduce_min3A, %reduce_min3A_108 [1, 2] : vector<1x32x128xi32> to vector<1xi32>
      %reduce_min3A_110 = vector.shape_cast %reduce_min3A_109 : vector<1xi32> to vector<1x1x1xi32>
      %reduce_min3A_111 = vector.extract %reduce_min3A_110[0, 0, 0] : i32 from vector<1x1x1xi32>
      scf.yield %min3A, %reduce_min3A_111 : vector<32x128xf32>, i32
    }
    %scan3A_17 = arith.constant 1024 : i32
    return
  }
}

module attributes {stable_mosaic.version = 14 : i64} {
  func.func @_ballq_body(%arg0: i32, %arg1: memref<16x3xf32, #tpu.memory_space<vmem>>, %arg2: memref<3x8192xf32, #tpu.memory_space<vmem>>, %arg3: memref<16x64xi32, #tpu.memory_space<vmem>>) attributes {dimension_semantics = [#tpu.dimension_semantics<arbitrary>], iteration_bounds = array<i64: 256>, scalar_prefetch = 0 : i64, scratch_operands = 0 : i64, tpu.core_type = #tpu.core_type<tc>, window_params = [{transform_indices = @transform_0, window_bounds = array<i64: 16, 3>}, {pipeline_mode = #tpu.pipeline_mode<synchronous>, transform_indices = @transform_1, window_bounds = array<i64: 3, 8192>}, {transform_indices = @transform_2, window_bounds = array<i64: 16, 64>}]} {
    %get3A = arith.constant 0 : index
    %get3A_0 = arith.constant 0 : index
    %get3A_1 = vector.load %arg1[%get3A, %get3A_0] : memref<16x3xf32, #tpu.memory_space<vmem>>, vector<16x3xf32>
    %get3A_2 = arith.constant 0 : index
    %get3A_3 = arith.constant 0 : index
    %get3A_4 = vector.load %arg2[%get3A_2, %get3A_3] : memref<3x8192xf32, #tpu.memory_space<vmem>>, vector<3x8192xf32>
    %dot_general3A = arith.constant dense<0.000000e+00> : vector<16x8192xf32>
    %dot_general3A_5 = tpu.matmul %get3A_1, %get3A_4, %dot_general3A {dimension_numbers = #tpu.dot_dimension_numbers<[1], [0], [0], [1], [0, 0, 1, 1], [], []>, transpose_lhs_hint = false} : vector<16x3xf32>, vector<3x8192xf32>, vector<16x8192xf32> -> vector<16x8192xf32>
    %mul3A = arith.constant -2.000000e+00 : f32
    %mul3A_6 = vector.broadcast %mul3A : f32 to vector<16x8192xf32>
    %mul3A_7 = arith.mulf %mul3A_6, %dot_general3A_5 : vector<16x8192xf32>
    %mul3A_8 = arith.mulf %get3A_1, %get3A_1 : vector<16x3xf32>
    %reduce_sum3A = arith.constant dense<0.000000e+00> : vector<16xf32>
    %reduce_sum3A_9 = vector.multi_reduction <add>, %mul3A_8, %reduce_sum3A [1] : vector<16x3xf32> to vector<16xf32>
    %broadcast_in_dim3A = vector.shape_cast %reduce_sum3A_9 : vector<16xf32> to vector<16x1xf32>
    %add3A = vector.broadcast %broadcast_in_dim3A : vector<16x1xf32> to vector<16x8192xf32>
    %add3A_10 = arith.addf %mul3A_7, %add3A : vector<16x8192xf32>
    %mul3A_11 = arith.mulf %get3A_4, %get3A_4 : vector<3x8192xf32>
    %reduce_sum3A_12 = arith.constant dense<0.000000e+00> : vector<8192xf32>
    %reduce_sum3A_13 = vector.multi_reduction <add>, %mul3A_11, %reduce_sum3A_12 [0] : vector<3x8192xf32> to vector<8192xf32>
    %broadcast_in_dim3A_14 = vector.shape_cast %reduce_sum3A_13 : vector<8192xf32> to vector<1x8192xf32>
    %add3A_15 = vector.broadcast %broadcast_in_dim3A_14 : vector<1x8192xf32> to vector<16x8192xf32>
    %add3A_16 = arith.addf %add3A_10, %add3A_15 : vector<16x8192xf32>
    %le3A = arith.constant 4.000000e-02 : f32
    %le3A_17 = vector.broadcast %le3A : f32 to vector<16x8192xf32>
    %le3A_18 = arith.cmpf ole, %add3A_16, %le3A_17 : vector<16x8192xf32>
    %convert_element_type3A = arith.extui %le3A_18 : vector<16x8192xi1> to vector<16x8192xi32>
    %convert_element_type3A_19 = arith.sitofp %convert_element_type3A : vector<16x8192xi32> to vector<16x8192xf32>
    %iota3A = tpu.iota {dimensions = array<i32: 1>} : vector<16x8192xi32>
    %roll3A = arith.constant 1 : i32
    %roll3A_20 = tpu.dynamic_rotate %convert_element_type3A_19 by %roll3A dim 1 : vector<16x8192xf32>, i32 -> vector<16x8192xf32>
    %ge3A = arith.constant 1 : i32
    %ge3A_21 = vector.broadcast %ge3A : i32 to vector<16x8192xi32>
    %ge3A_22 = arith.cmpi sge, %iota3A, %ge3A_21 : vector<16x8192xi32>
    %jit3A = arith.constant 0.000000e+00 : f32
    %broadcast_in_dim3A_23 = vector.broadcast %jit3A : f32 to vector<16x8192xf32>
    %select_n3A = arith.select %ge3A_22, %roll3A_20, %broadcast_in_dim3A_23 : vector<16x8192xi1>, vector<16x8192xf32>
    %add3A_24 = arith.addf %convert_element_type3A_19, %select_n3A : vector<16x8192xf32>
    %roll3A_25 = arith.constant 2 : i32
    %roll3A_26 = tpu.dynamic_rotate %add3A_24 by %roll3A_25 dim 1 : vector<16x8192xf32>, i32 -> vector<16x8192xf32>
    %ge3A_27 = arith.constant 2 : i32
    %ge3A_28 = vector.broadcast %ge3A_27 : i32 to vector<16x8192xi32>
    %ge3A_29 = arith.cmpi sge, %iota3A, %ge3A_28 : vector<16x8192xi32>
    %jit3A_30 = arith.constant 0.000000e+00 : f32
    %broadcast_in_dim3A_31 = vector.broadcast %jit3A_30 : f32 to vector<16x8192xf32>
    %select_n3A_32 = arith.select %ge3A_29, %roll3A_26, %broadcast_in_dim3A_31 : vector<16x8192xi1>, vector<16x8192xf32>
    %add3A_33 = arith.addf %add3A_24, %select_n3A_32 : vector<16x8192xf32>
    %roll3A_34 = arith.constant 4 : i32
    %roll3A_35 = tpu.dynamic_rotate %add3A_33 by %roll3A_34 dim 1 : vector<16x8192xf32>, i32 -> vector<16x8192xf32>
    %ge3A_36 = arith.constant 4 : i32
    %ge3A_37 = vector.broadcast %ge3A_36 : i32 to vector<16x8192xi32>
    %ge3A_38 = arith.cmpi sge, %iota3A, %ge3A_37 : vector<16x8192xi32>
    %jit3A_39 = arith.constant 0.000000e+00 : f32
    %broadcast_in_dim3A_40 = vector.broadcast %jit3A_39 : f32 to vector<16x8192xf32>
    %select_n3A_41 = arith.select %ge3A_38, %roll3A_35, %broadcast_in_dim3A_40 : vector<16x8192xi1>, vector<16x8192xf32>
    %add3A_42 = arith.addf %add3A_33, %select_n3A_41 : vector<16x8192xf32>
    %roll3A_43 = arith.constant 8 : i32
    %roll3A_44 = tpu.dynamic_rotate %add3A_42 by %roll3A_43 dim 1 : vector<16x8192xf32>, i32 -> vector<16x8192xf32>
    %ge3A_45 = arith.constant 8 : i32
    %ge3A_46 = vector.broadcast %ge3A_45 : i32 to vector<16x8192xi32>
    %ge3A_47 = arith.cmpi sge, %iota3A, %ge3A_46 : vector<16x8192xi32>
    %jit3A_48 = arith.constant 0.000000e+00 : f32
    %broadcast_in_dim3A_49 = vector.broadcast %jit3A_48 : f32 to vector<16x8192xf32>
    %select_n3A_50 = arith.select %ge3A_47, %roll3A_44, %broadcast_in_dim3A_49 : vector<16x8192xi1>, vector<16x8192xf32>
    %add3A_51 = arith.addf %add3A_42, %select_n3A_50 : vector<16x8192xf32>
    %roll3A_52 = arith.constant 16 : i32
    %roll3A_53 = tpu.dynamic_rotate %add3A_51 by %roll3A_52 dim 1 : vector<16x8192xf32>, i32 -> vector<16x8192xf32>
    %ge3A_54 = arith.constant 16 : i32
    %ge3A_55 = vector.broadcast %ge3A_54 : i32 to vector<16x8192xi32>
    %ge3A_56 = arith.cmpi sge, %iota3A, %ge3A_55 : vector<16x8192xi32>
    %jit3A_57 = arith.constant 0.000000e+00 : f32
    %broadcast_in_dim3A_58 = vector.broadcast %jit3A_57 : f32 to vector<16x8192xf32>
    %select_n3A_59 = arith.select %ge3A_56, %roll3A_53, %broadcast_in_dim3A_58 : vector<16x8192xi1>, vector<16x8192xf32>
    %add3A_60 = arith.addf %add3A_51, %select_n3A_59 : vector<16x8192xf32>
    %roll3A_61 = arith.constant 32 : i32
    %roll3A_62 = tpu.dynamic_rotate %add3A_60 by %roll3A_61 dim 1 : vector<16x8192xf32>, i32 -> vector<16x8192xf32>
    %ge3A_63 = arith.constant 32 : i32
    %ge3A_64 = vector.broadcast %ge3A_63 : i32 to vector<16x8192xi32>
    %ge3A_65 = arith.cmpi sge, %iota3A, %ge3A_64 : vector<16x8192xi32>
    %jit3A_66 = arith.constant 0.000000e+00 : f32
    %broadcast_in_dim3A_67 = vector.broadcast %jit3A_66 : f32 to vector<16x8192xf32>
    %select_n3A_68 = arith.select %ge3A_65, %roll3A_62, %broadcast_in_dim3A_67 : vector<16x8192xi1>, vector<16x8192xf32>
    %add3A_69 = arith.addf %add3A_60, %select_n3A_68 : vector<16x8192xf32>
    %roll3A_70 = arith.constant 64 : i32
    %roll3A_71 = tpu.dynamic_rotate %add3A_69 by %roll3A_70 dim 1 : vector<16x8192xf32>, i32 -> vector<16x8192xf32>
    %ge3A_72 = arith.constant 64 : i32
    %ge3A_73 = vector.broadcast %ge3A_72 : i32 to vector<16x8192xi32>
    %ge3A_74 = arith.cmpi sge, %iota3A, %ge3A_73 : vector<16x8192xi32>
    %jit3A_75 = arith.constant 0.000000e+00 : f32
    %broadcast_in_dim3A_76 = vector.broadcast %jit3A_75 : f32 to vector<16x8192xf32>
    %select_n3A_77 = arith.select %ge3A_74, %roll3A_71, %broadcast_in_dim3A_76 : vector<16x8192xi1>, vector<16x8192xf32>
    %add3A_78 = arith.addf %add3A_69, %select_n3A_77 : vector<16x8192xf32>
    %roll3A_79 = arith.constant 128 : i32
    %roll3A_80 = tpu.dynamic_rotate %add3A_78 by %roll3A_79 dim 1 : vector<16x8192xf32>, i32 -> vector<16x8192xf32>
    %ge3A_81 = arith.constant 128 : i32
    %ge3A_82 = vector.broadcast %ge3A_81 : i32 to vector<16x8192xi32>
    %ge3A_83 = arith.cmpi sge, %iota3A, %ge3A_82 : vector<16x8192xi32>
    %jit3A_84 = arith.constant 0.000000e+00 : f32
    %broadcast_in_dim3A_85 = vector.broadcast %jit3A_84 : f32 to vector<16x8192xf32>
    %select_n3A_86 = arith.select %ge3A_83, %roll3A_80, %broadcast_in_dim3A_85 : vector<16x8192xi1>, vector<16x8192xf32>
    %add3A_87 = arith.addf %add3A_78, %select_n3A_86 : vector<16x8192xf32>
    %roll3A_88 = arith.constant 256 : i32
    %roll3A_89 = tpu.dynamic_rotate %add3A_87 by %roll3A_88 dim 1 : vector<16x8192xf32>, i32 -> vector<16x8192xf32>
    %ge3A_90 = arith.constant 256 : i32
    %ge3A_91 = vector.broadcast %ge3A_90 : i32 to vector<16x8192xi32>
    %ge3A_92 = arith.cmpi sge, %iota3A, %ge3A_91 : vector<16x8192xi32>
    %jit3A_93 = arith.constant 0.000000e+00 : f32
    %broadcast_in_dim3A_94 = vector.broadcast %jit3A_93 : f32 to vector<16x8192xf32>
    %select_n3A_95 = arith.select %ge3A_92, %roll3A_89, %broadcast_in_dim3A_94 : vector<16x8192xi1>, vector<16x8192xf32>
    %add3A_96 = arith.addf %add3A_87, %select_n3A_95 : vector<16x8192xf32>
    %roll3A_97 = arith.constant 512 : i32
    %roll3A_98 = tpu.dynamic_rotate %add3A_96 by %roll3A_97 dim 1 : vector<16x8192xf32>, i32 -> vector<16x8192xf32>
    %ge3A_99 = arith.constant 512 : i32
    %ge3A_100 = vector.broadcast %ge3A_99 : i32 to vector<16x8192xi32>
    %ge3A_101 = arith.cmpi sge, %iota3A, %ge3A_100 : vector<16x8192xi32>
    %jit3A_102 = arith.constant 0.000000e+00 : f32
    %broadcast_in_dim3A_103 = vector.broadcast %jit3A_102 : f32 to vector<16x8192xf32>
    %select_n3A_104 = arith.select %ge3A_101, %roll3A_98, %broadcast_in_dim3A_103 : vector<16x8192xi1>, vector<16x8192xf32>
    %add3A_105 = arith.addf %add3A_96, %select_n3A_104 : vector<16x8192xf32>
    %roll3A_106 = arith.constant 1024 : i32
    %roll3A_107 = tpu.dynamic_rotate %add3A_105 by %roll3A_106 dim 1 : vector<16x8192xf32>, i32 -> vector<16x8192xf32>
    %ge3A_108 = arith.constant 1024 : i32
    %ge3A_109 = vector.broadcast %ge3A_108 : i32 to vector<16x8192xi32>
    %ge3A_110 = arith.cmpi sge, %iota3A, %ge3A_109 : vector<16x8192xi32>
    %jit3A_111 = arith.constant 0.000000e+00 : f32
    %broadcast_in_dim3A_112 = vector.broadcast %jit3A_111 : f32 to vector<16x8192xf32>
    %select_n3A_113 = arith.select %ge3A_110, %roll3A_107, %broadcast_in_dim3A_112 : vector<16x8192xi1>, vector<16x8192xf32>
    %add3A_114 = arith.addf %add3A_105, %select_n3A_113 : vector<16x8192xf32>
    %roll3A_115 = arith.constant 2048 : i32
    %roll3A_116 = tpu.dynamic_rotate %add3A_114 by %roll3A_115 dim 1 : vector<16x8192xf32>, i32 -> vector<16x8192xf32>
    %ge3A_117 = arith.constant 2048 : i32
    %ge3A_118 = vector.broadcast %ge3A_117 : i32 to vector<16x8192xi32>
    %ge3A_119 = arith.cmpi sge, %iota3A, %ge3A_118 : vector<16x8192xi32>
    %jit3A_120 = arith.constant 0.000000e+00 : f32
    %broadcast_in_dim3A_121 = vector.broadcast %jit3A_120 : f32 to vector<16x8192xf32>
    %select_n3A_122 = arith.select %ge3A_119, %roll3A_116, %broadcast_in_dim3A_121 : vector<16x8192xi1>, vector<16x8192xf32>
    %add3A_123 = arith.addf %add3A_114, %select_n3A_122 : vector<16x8192xf32>
    %roll3A_124 = arith.constant 4096 : i32
    %roll3A_125 = tpu.dynamic_rotate %add3A_123 by %roll3A_124 dim 1 : vector<16x8192xf32>, i32 -> vector<16x8192xf32>
    %ge3A_126 = arith.constant 4096 : i32
    %ge3A_127 = vector.broadcast %ge3A_126 : i32 to vector<16x8192xi32>
    %ge3A_128 = arith.cmpi sge, %iota3A, %ge3A_127 : vector<16x8192xi32>
    %jit3A_129 = arith.constant 0.000000e+00 : f32
    %broadcast_in_dim3A_130 = vector.broadcast %jit3A_129 : f32 to vector<16x8192xf32>
    %select_n3A_131 = arith.select %ge3A_128, %roll3A_125, %broadcast_in_dim3A_130 : vector<16x8192xi1>, vector<16x8192xf32>
    %add3A_132 = arith.addf %add3A_123, %select_n3A_131 : vector<16x8192xf32>
    %iota3A_133 = tpu.iota {dimensions = array<i32: 1>} : vector<16x64xi32>
    %broadcast_in_dim3A_134 = arith.constant 0.000000e+00 : f32
    %broadcast_in_dim3A_135 = vector.broadcast %broadcast_in_dim3A_134 : f32 to vector<16x64xf32>
    %scan3A = arith.constant 0 : i32
    %scan3A_136 = arith.constant 64 : i32
    %scan3A_137 = arith.addi %scan3A, %scan3A_136 : i32
    %scan3A_138 = arith.constant 1 : i32
    %scan3A_139 = scf.for %scan3A_150 = %scan3A to %scan3A_137 step %scan3A_138 iter_args(%scan3A_151 = %broadcast_in_dim3A_135) -> (vector<16x64xf32>)  : i32 {
      %convert_element_type3A_152 = arith.sitofp %scan3A_150 : i32 to f32
      %le3A_153 = vector.broadcast %convert_element_type3A_152 : f32 to vector<16x8192xf32>
      %le3A_154 = arith.cmpf ole, %add3A_132, %le3A_153 : vector<16x8192xf32>
      %convert_element_type3A_155 = arith.extui %le3A_154 : vector<16x8192xi1> to vector<16x8192xi32>
      %convert_element_type3A_156 = arith.sitofp %convert_element_type3A_155 : vector<16x8192xi32> to vector<16x8192xf32>
      %reduce_sum3A_157 = arith.constant dense<0.000000e+00> : vector<16xf32>
      %reduce_sum3A_158 = vector.multi_reduction <add>, %convert_element_type3A_156, %reduce_sum3A_157 [1] : vector<16x8192xf32> to vector<16xf32>
      %broadcast_in_dim3A_159 = vector.shape_cast %reduce_sum3A_158 : vector<16xf32> to vector<16x1xf32>
      %eq3A = vector.broadcast %scan3A_150 : i32 to vector<16x64xi32>
      %eq3A_160 = arith.cmpi eq, %iota3A_133, %eq3A : vector<16x64xi32>
      %jit3A_161 = arith.constant 0.000000e+00 : f32
      %broadcast_in_dim3A_162 = vector.shape_cast %broadcast_in_dim3A_159 : vector<16x1xf32> to vector<16x1xf32>
      %broadcast_in_dim3A_163 = vector.broadcast %broadcast_in_dim3A_162 : vector<16x1xf32> to vector<16x64xf32>
      %broadcast_in_dim3A_164 = vector.broadcast %jit3A_161 : f32 to vector<16x64xf32>
      %select_n3A_165 = arith.select %eq3A_160, %broadcast_in_dim3A_163, %broadcast_in_dim3A_164 : vector<16x64xi1>, vector<16x64xf32>
      %add3A_166 = arith.addf %scan3A_151, %select_n3A_165 : vector<16x64xf32>
      scf.yield %add3A_166 : vector<16x64xf32>
    }
    %scan3A_140 = arith.constant 64 : i32
    %slice3A = vector.extract_strided_slice %scan3A_139 {offsets = [0, 0], sizes = [16, 1], strides = [1, 1]} : vector<16x64xf32> to vector<16x1xf32>
    %ge3A_141 = arith.constant 8.192000e+03 : f32
    %ge3A_142 = vector.broadcast %ge3A_141 : f32 to vector<16x64xf32>
    %ge3A_143 = arith.cmpf oge, %scan3A_139, %ge3A_142 : vector<16x64xf32>
    %broadcast_in_dim3A_144 = vector.shape_cast %slice3A : vector<16x1xf32> to vector<16x1xf32>
    %broadcast_in_dim3A_145 = vector.broadcast %broadcast_in_dim3A_144 : vector<16x1xf32> to vector<16x64xf32>
    %select_n3A_146 = arith.select %ge3A_143, %broadcast_in_dim3A_145, %scan3A_139 : vector<16x64xi1>, vector<16x64xf32>
    %convert_element_type3A_147 = arith.fptosi %select_n3A_146 : vector<16x64xf32> to vector<16x64xi32>
    %swap3A = arith.constant 0 : index
    %swap3A_148 = arith.constant 0 : index
    %swap3A_149 = vector.load %arg3[%swap3A, %swap3A_148] : memref<16x64xi32, #tpu.memory_space<vmem>>, vector<16x64xi32>
    tpu.vector_store %arg3[%swap3A, %swap3A_148], %convert_element_type3A_147 {strides = array<i32>} : memref<16x64xi32, #tpu.memory_space<vmem>>, vector<16x64xi32>,
    return
  }
  func.func @transform_0(%arg0: i32) -> (i32, i32) {
    %c0_i32 = arith.constant 0 : i32
    %c0_i32_0 = arith.constant 0 : i32
    return %arg0, %c0_i32 : i32, i32
  }
  func.func @transform_1(%arg0: i32) -> (i32, i32) {
    %c0_i32 = arith.constant 0 : i32
    %c0_i32_0 = arith.constant 0 : i32
    %c0_i32_1 = arith.constant 0 : i32
    return %c0_i32, %c0_i32_0 : i32, i32
  }
  func.func @transform_2(%arg0: i32) -> (i32, i32) {
    %c0_i32 = arith.constant 0 : i32
    %c0_i32_0 = arith.constant 0 : i32
    return %arg0, %c0_i32 : i32, i32
  }
}

module attributes {stable_mosaic.version = 14 : i64} {
  func.func @_sa_mlp_body(%arg0: i32, %arg1: memref<1x22x4096xf32, #tpu.memory_space<vmem>>, %arg2: memref<64x22xf32, #tpu.memory_space<vmem>>, %arg3: memref<64x1xf32, #tpu.memory_space<vmem>>, %arg4: memref<64x64xf32, #tpu.memory_space<vmem>>, %arg5: memref<64x1xf32, #tpu.memory_space<vmem>>, %arg6: memref<128x64xf32, #tpu.memory_space<vmem>>, %arg7: memref<128x1xf32, #tpu.memory_space<vmem>>, %arg8: memref<1x128x64xf32, #tpu.memory_space<vmem>>) attributes {dimension_semantics = [#tpu.dimension_semantics<arbitrary>], iteration_bounds = array<i64: 64>, scalar_prefetch = 0 : i64, scratch_operands = 0 : i64, tpu.core_type = #tpu.core_type<tc>, window_params = [{transform_indices = @transform_0, window_bounds = array<i64: 1, 22, 4096>}, {pipeline_mode = #tpu.pipeline_mode<synchronous>, transform_indices = @transform_1, window_bounds = array<i64: 64, 22>}, {pipeline_mode = #tpu.pipeline_mode<synchronous>, transform_indices = @transform_2, window_bounds = array<i64: 64, 1>}, {pipeline_mode = #tpu.pipeline_mode<synchronous>, transform_indices = @transform_3, window_bounds = array<i64: 64, 64>}, {pipeline_mode = #tpu.pipeline_mode<synchronous>, transform_indices = @transform_4, window_bounds = array<i64: 64, 1>}, {pipeline_mode = #tpu.pipeline_mode<synchronous>, transform_indices = @transform_5, window_bounds = array<i64: 128, 64>}, {pipeline_mode = #tpu.pipeline_mode<synchronous>, transform_indices = @transform_6, window_bounds = array<i64: 128, 1>}, {transform_indices = @transform_7, window_bounds = array<i64: 1, 128, 64>}]} {
    %get3A = arith.constant 0 : index
    %get3A_0 = arith.constant 0 : index
    %get3A_1 = arith.constant 0 : index
    %get3A_2 = vector.load %arg1[%get3A, %get3A_0, %get3A_1] : memref<1x22x4096xf32, #tpu.memory_space<vmem>>, vector<1x22x4096xf32>
    %get3A_3 = vector.shape_cast %get3A_2 : vector<1x22x4096xf32> to vector<22x4096xf32>
    %get3A_4 = arith.constant 0 : index
    %get3A_5 = arith.constant 0 : index
    %get3A_6 = vector.load %arg2[%get3A_4, %get3A_5] : memref<64x22xf32, #tpu.memory_space<vmem>>, vector<64x22xf32>
    %get3A_7 = arith.constant 0 : index
    %get3A_8 = arith.constant 0 : index
    %get3A_9 = vector.load %arg3[%get3A_7, %get3A_8] : memref<64x1xf32, #tpu.memory_space<vmem>>, vector<64x1xf32>
    %dot_general3A = arith.constant dense<0.000000e+00> : vector<64x4096xf32>
    %dot_general3A_10 = tpu.matmul %get3A_6, %get3A_3, %dot_general3A {dimension_numbers = #tpu.dot_dimension_numbers<[1], [0], [0], [1], [0, 0, 1, 1], [], []>, transpose_lhs_hint = false} : vector<64x22xf32>, vector<22x4096xf32>, vector<64x4096xf32> -> vector<64x4096xf32>
    %add3A = vector.broadcast %get3A_9 : vector<64x1xf32> to vector<64x4096xf32>
    %add3A_11 = arith.addf %dot_general3A_10, %add3A : vector<64x4096xf32>
    %max3A = arith.constant 0.000000e+00 : f32
    %max3A_12 = vector.broadcast %max3A : f32 to vector<64x4096xf32>
    %max3A_13 = arith.maximumf %add3A_11, %max3A_12 : vector<64x4096xf32>
    %get3A_14 = arith.constant 0 : index
    %get3A_15 = arith.constant 0 : index
    %get3A_16 = vector.load %arg4[%get3A_14, %get3A_15] : memref<64x64xf32, #tpu.memory_space<vmem>>, vector<64x64xf32>
    %get3A_17 = arith.constant 0 : index
    %get3A_18 = arith.constant 0 : index
    %get3A_19 = vector.load %arg5[%get3A_17, %get3A_18] : memref<64x1xf32, #tpu.memory_space<vmem>>, vector<64x1xf32>
    %dot_general3A_20 = arith.constant dense<0.000000e+00> : vector<64x4096xf32>
    %dot_general3A_21 = tpu.matmul %get3A_16, %max3A_13, %dot_general3A_20 {dimension_numbers = #tpu.dot_dimension_numbers<[1], [0], [0], [1], [0, 0, 1, 1], [], []>, transpose_lhs_hint = false} : vector<64x64xf32>, vector<64x4096xf32>, vector<64x4096xf32> -> vector<64x4096xf32>
    %add3A_22 = vector.broadcast %get3A_19 : vector<64x1xf32> to vector<64x4096xf32>
    %add3A_23 = arith.addf %dot_general3A_21, %add3A_22 : vector<64x4096xf32>
    %max3A_24 = arith.constant 0.000000e+00 : f32
    %max3A_25 = vector.broadcast %max3A_24 : f32 to vector<64x4096xf32>
    %max3A_26 = arith.maximumf %add3A_23, %max3A_25 : vector<64x4096xf32>
    %get3A_27 = arith.constant 0 : index
    %get3A_28 = arith.constant 0 : index
    %get3A_29 = vector.load %arg6[%get3A_27, %get3A_28] : memref<128x64xf32, #tpu.memory_space<vmem>>, vector<128x64xf32>
    %get3A_30 = arith.constant 0 : index
    %get3A_31 = arith.constant 0 : index
    %get3A_32 = vector.load %arg7[%get3A_30, %get3A_31] : memref<128x1xf32, #tpu.memory_space<vmem>>, vector<128x1xf32>
    %dot_general3A_33 = arith.constant dense<0.000000e+00> : vector<128x4096xf32>
    %dot_general3A_34 = tpu.matmul %get3A_29, %max3A_26, %dot_general3A_33 {dimension_numbers = #tpu.dot_dimension_numbers<[1], [0], [0], [1], [0, 0, 1, 1], [], []>, transpose_lhs_hint = false} : vector<128x64xf32>, vector<64x4096xf32>, vector<128x4096xf32> -> vector<128x4096xf32>
    %add3A_35 = vector.broadcast %get3A_32 : vector<128x1xf32> to vector<128x4096xf32>
    %add3A_36 = arith.addf %dot_general3A_34, %add3A_35 : vector<128x4096xf32>
    %max3A_37 = arith.constant 0.000000e+00 : f32
    %max3A_38 = vector.broadcast %max3A_37 : f32 to vector<128x4096xf32>
    %max3A_39 = arith.maximumf %add3A_36, %max3A_38 : vector<128x4096xf32>
    %slice3A = vector.extract_strided_slice %max3A_39 {offsets = [0, 0], sizes = [128, 64], strides = [1, 1]} : vector<128x4096xf32> to vector<128x64xf32>
    %slice3A_40 = vector.extract_strided_slice %max3A_39 {offsets = [0, 64], sizes = [128, 64], strides = [1, 1]} : vector<128x4096xf32> to vector<128x64xf32>
    %max3A_41 = arith.maximumf %slice3A, %slice3A_40 : vector<128x64xf32>
    %slice3A_42 = vector.extract_strided_slice %max3A_39 {offsets = [0, 128], sizes = [128, 64], strides = [1, 1]} : vector<128x4096xf32> to vector<128x64xf32>
    %max3A_43 = arith.maximumf %max3A_41, %slice3A_42 : vector<128x64xf32>
    %slice3A_44 = vector.extract_strided_slice %max3A_39 {offsets = [0, 192], sizes = [128, 64], strides = [1, 1]} : vector<128x4096xf32> to vector<128x64xf32>
    %max3A_45 = arith.maximumf %max3A_43, %slice3A_44 : vector<128x64xf32>
    %slice3A_46 = vector.extract_strided_slice %max3A_39 {offsets = [0, 256], sizes = [128, 64], strides = [1, 1]} : vector<128x4096xf32> to vector<128x64xf32>
    %max3A_47 = arith.maximumf %max3A_45, %slice3A_46 : vector<128x64xf32>
    %slice3A_48 = vector.extract_strided_slice %max3A_39 {offsets = [0, 320], sizes = [128, 64], strides = [1, 1]} : vector<128x4096xf32> to vector<128x64xf32>
    %max3A_49 = arith.maximumf %max3A_47, %slice3A_48 : vector<128x64xf32>
    %slice3A_50 = vector.extract_strided_slice %max3A_39 {offsets = [0, 384], sizes = [128, 64], strides = [1, 1]} : vector<128x4096xf32> to vector<128x64xf32>
    %max3A_51 = arith.maximumf %max3A_49, %slice3A_50 : vector<128x64xf32>
    %slice3A_52 = vector.extract_strided_slice %max3A_39 {offsets = [0, 448], sizes = [128, 64], strides = [1, 1]} : vector<128x4096xf32> to vector<128x64xf32>
    %max3A_53 = arith.maximumf %max3A_51, %slice3A_52 : vector<128x64xf32>
    %slice3A_54 = vector.extract_strided_slice %max3A_39 {offsets = [0, 512], sizes = [128, 64], strides = [1, 1]} : vector<128x4096xf32> to vector<128x64xf32>
    %max3A_55 = arith.maximumf %max3A_53, %slice3A_54 : vector<128x64xf32>
    %slice3A_56 = vector.extract_strided_slice %max3A_39 {offsets = [0, 576], sizes = [128, 64], strides = [1, 1]} : vector<128x4096xf32> to vector<128x64xf32>
    %max3A_57 = arith.maximumf %max3A_55, %slice3A_56 : vector<128x64xf32>
    %slice3A_58 = vector.extract_strided_slice %max3A_39 {offsets = [0, 640], sizes = [128, 64], strides = [1, 1]} : vector<128x4096xf32> to vector<128x64xf32>
    %max3A_59 = arith.maximumf %max3A_57, %slice3A_58 : vector<128x64xf32>
    %slice3A_60 = vector.extract_strided_slice %max3A_39 {offsets = [0, 704], sizes = [128, 64], strides = [1, 1]} : vector<128x4096xf32> to vector<128x64xf32>
    %max3A_61 = arith.maximumf %max3A_59, %slice3A_60 : vector<128x64xf32>
    %slice3A_62 = vector.extract_strided_slice %max3A_39 {offsets = [0, 768], sizes = [128, 64], strides = [1, 1]} : vector<128x4096xf32> to vector<128x64xf32>
    %max3A_63 = arith.maximumf %max3A_61, %slice3A_62 : vector<128x64xf32>
    %slice3A_64 = vector.extract_strided_slice %max3A_39 {offsets = [0, 832], sizes = [128, 64], strides = [1, 1]} : vector<128x4096xf32> to vector<128x64xf32>
    %max3A_65 = arith.maximumf %max3A_63, %slice3A_64 : vector<128x64xf32>
    %slice3A_66 = vector.extract_strided_slice %max3A_39 {offsets = [0, 896], sizes = [128, 64], strides = [1, 1]} : vector<128x4096xf32> to vector<128x64xf32>
    %max3A_67 = arith.maximumf %max3A_65, %slice3A_66 : vector<128x64xf32>
    %slice3A_68 = vector.extract_strided_slice %max3A_39 {offsets = [0, 960], sizes = [128, 64], strides = [1, 1]} : vector<128x4096xf32> to vector<128x64xf32>
    %max3A_69 = arith.maximumf %max3A_67, %slice3A_68 : vector<128x64xf32>
    %slice3A_70 = vector.extract_strided_slice %max3A_39 {offsets = [0, 1024], sizes = [128, 64], strides = [1, 1]} : vector<128x4096xf32> to vector<128x64xf32>
    %max3A_71 = arith.maximumf %max3A_69, %slice3A_70 : vector<128x64xf32>
    %slice3A_72 = vector.extract_strided_slice %max3A_39 {offsets = [0, 1088], sizes = [128, 64], strides = [1, 1]} : vector<128x4096xf32> to vector<128x64xf32>
    %max3A_73 = arith.maximumf %max3A_71, %slice3A_72 : vector<128x64xf32>
    %slice3A_74 = vector.extract_strided_slice %max3A_39 {offsets = [0, 1152], sizes = [128, 64], strides = [1, 1]} : vector<128x4096xf32> to vector<128x64xf32>
    %max3A_75 = arith.maximumf %max3A_73, %slice3A_74 : vector<128x64xf32>
    %slice3A_76 = vector.extract_strided_slice %max3A_39 {offsets = [0, 1216], sizes = [128, 64], strides = [1, 1]} : vector<128x4096xf32> to vector<128x64xf32>
    %max3A_77 = arith.maximumf %max3A_75, %slice3A_76 : vector<128x64xf32>
    %slice3A_78 = vector.extract_strided_slice %max3A_39 {offsets = [0, 1280], sizes = [128, 64], strides = [1, 1]} : vector<128x4096xf32> to vector<128x64xf32>
    %max3A_79 = arith.maximumf %max3A_77, %slice3A_78 : vector<128x64xf32>
    %slice3A_80 = vector.extract_strided_slice %max3A_39 {offsets = [0, 1344], sizes = [128, 64], strides = [1, 1]} : vector<128x4096xf32> to vector<128x64xf32>
    %max3A_81 = arith.maximumf %max3A_79, %slice3A_80 : vector<128x64xf32>
    %slice3A_82 = vector.extract_strided_slice %max3A_39 {offsets = [0, 1408], sizes = [128, 64], strides = [1, 1]} : vector<128x4096xf32> to vector<128x64xf32>
    %max3A_83 = arith.maximumf %max3A_81, %slice3A_82 : vector<128x64xf32>
    %slice3A_84 = vector.extract_strided_slice %max3A_39 {offsets = [0, 1472], sizes = [128, 64], strides = [1, 1]} : vector<128x4096xf32> to vector<128x64xf32>
    %max3A_85 = arith.maximumf %max3A_83, %slice3A_84 : vector<128x64xf32>
    %slice3A_86 = vector.extract_strided_slice %max3A_39 {offsets = [0, 1536], sizes = [128, 64], strides = [1, 1]} : vector<128x4096xf32> to vector<128x64xf32>
    %max3A_87 = arith.maximumf %max3A_85, %slice3A_86 : vector<128x64xf32>
    %slice3A_88 = vector.extract_strided_slice %max3A_39 {offsets = [0, 1600], sizes = [128, 64], strides = [1, 1]} : vector<128x4096xf32> to vector<128x64xf32>
    %max3A_89 = arith.maximumf %max3A_87, %slice3A_88 : vector<128x64xf32>
    %slice3A_90 = vector.extract_strided_slice %max3A_39 {offsets = [0, 1664], sizes = [128, 64], strides = [1, 1]} : vector<128x4096xf32> to vector<128x64xf32>
    %max3A_91 = arith.maximumf %max3A_89, %slice3A_90 : vector<128x64xf32>
    %slice3A_92 = vector.extract_strided_slice %max3A_39 {offsets = [0, 1728], sizes = [128, 64], strides = [1, 1]} : vector<128x4096xf32> to vector<128x64xf32>
    %max3A_93 = arith.maximumf %max3A_91, %slice3A_92 : vector<128x64xf32>
    %slice3A_94 = vector.extract_strided_slice %max3A_39 {offsets = [0, 1792], sizes = [128, 64], strides = [1, 1]} : vector<128x4096xf32> to vector<128x64xf32>
    %max3A_95 = arith.maximumf %max3A_93, %slice3A_94 : vector<128x64xf32>
    %slice3A_96 = vector.extract_strided_slice %max3A_39 {offsets = [0, 1856], sizes = [128, 64], strides = [1, 1]} : vector<128x4096xf32> to vector<128x64xf32>
    %max3A_97 = arith.maximumf %max3A_95, %slice3A_96 : vector<128x64xf32>
    %slice3A_98 = vector.extract_strided_slice %max3A_39 {offsets = [0, 1920], sizes = [128, 64], strides = [1, 1]} : vector<128x4096xf32> to vector<128x64xf32>
    %max3A_99 = arith.maximumf %max3A_97, %slice3A_98 : vector<128x64xf32>
    %slice3A_100 = vector.extract_strided_slice %max3A_39 {offsets = [0, 1984], sizes = [128, 64], strides = [1, 1]} : vector<128x4096xf32> to vector<128x64xf32>
    %max3A_101 = arith.maximumf %max3A_99, %slice3A_100 : vector<128x64xf32>
    %slice3A_102 = vector.extract_strided_slice %max3A_39 {offsets = [0, 2048], sizes = [128, 64], strides = [1, 1]} : vector<128x4096xf32> to vector<128x64xf32>
    %max3A_103 = arith.maximumf %max3A_101, %slice3A_102 : vector<128x64xf32>
    %slice3A_104 = vector.extract_strided_slice %max3A_39 {offsets = [0, 2112], sizes = [128, 64], strides = [1, 1]} : vector<128x4096xf32> to vector<128x64xf32>
    %max3A_105 = arith.maximumf %max3A_103, %slice3A_104 : vector<128x64xf32>
    %slice3A_106 = vector.extract_strided_slice %max3A_39 {offsets = [0, 2176], sizes = [128, 64], strides = [1, 1]} : vector<128x4096xf32> to vector<128x64xf32>
    %max3A_107 = arith.maximumf %max3A_105, %slice3A_106 : vector<128x64xf32>
    %slice3A_108 = vector.extract_strided_slice %max3A_39 {offsets = [0, 2240], sizes = [128, 64], strides = [1, 1]} : vector<128x4096xf32> to vector<128x64xf32>
    %max3A_109 = arith.maximumf %max3A_107, %slice3A_108 : vector<128x64xf32>
    %slice3A_110 = vector.extract_strided_slice %max3A_39 {offsets = [0, 2304], sizes = [128, 64], strides = [1, 1]} : vector<128x4096xf32> to vector<128x64xf32>
    %max3A_111 = arith.maximumf %max3A_109, %slice3A_110 : vector<128x64xf32>
    %slice3A_112 = vector.extract_strided_slice %max3A_39 {offsets = [0, 2368], sizes = [128, 64], strides = [1, 1]} : vector<128x4096xf32> to vector<128x64xf32>
    %max3A_113 = arith.maximumf %max3A_111, %slice3A_112 : vector<128x64xf32>
    %slice3A_114 = vector.extract_strided_slice %max3A_39 {offsets = [0, 2432], sizes = [128, 64], strides = [1, 1]} : vector<128x4096xf32> to vector<128x64xf32>
    %max3A_115 = arith.maximumf %max3A_113, %slice3A_114 : vector<128x64xf32>
    %slice3A_116 = vector.extract_strided_slice %max3A_39 {offsets = [0, 2496], sizes = [128, 64], strides = [1, 1]} : vector<128x4096xf32> to vector<128x64xf32>
    %max3A_117 = arith.maximumf %max3A_115, %slice3A_116 : vector<128x64xf32>
    %slice3A_118 = vector.extract_strided_slice %max3A_39 {offsets = [0, 2560], sizes = [128, 64], strides = [1, 1]} : vector<128x4096xf32> to vector<128x64xf32>
    %max3A_119 = arith.maximumf %max3A_117, %slice3A_118 : vector<128x64xf32>
    %slice3A_120 = vector.extract_strided_slice %max3A_39 {offsets = [0, 2624], sizes = [128, 64], strides = [1, 1]} : vector<128x4096xf32> to vector<128x64xf32>
    %max3A_121 = arith.maximumf %max3A_119, %slice3A_120 : vector<128x64xf32>
    %slice3A_122 = vector.extract_strided_slice %max3A_39 {offsets = [0, 2688], sizes = [128, 64], strides = [1, 1]} : vector<128x4096xf32> to vector<128x64xf32>
    %max3A_123 = arith.maximumf %max3A_121, %slice3A_122 : vector<128x64xf32>
    %slice3A_124 = vector.extract_strided_slice %max3A_39 {offsets = [0, 2752], sizes = [128, 64], strides = [1, 1]} : vector<128x4096xf32> to vector<128x64xf32>
    %max3A_125 = arith.maximumf %max3A_123, %slice3A_124 : vector<128x64xf32>
    %slice3A_126 = vector.extract_strided_slice %max3A_39 {offsets = [0, 2816], sizes = [128, 64], strides = [1, 1]} : vector<128x4096xf32> to vector<128x64xf32>
    %max3A_127 = arith.maximumf %max3A_125, %slice3A_126 : vector<128x64xf32>
    %slice3A_128 = vector.extract_strided_slice %max3A_39 {offsets = [0, 2880], sizes = [128, 64], strides = [1, 1]} : vector<128x4096xf32> to vector<128x64xf32>
    %max3A_129 = arith.maximumf %max3A_127, %slice3A_128 : vector<128x64xf32>
    %slice3A_130 = vector.extract_strided_slice %max3A_39 {offsets = [0, 2944], sizes = [128, 64], strides = [1, 1]} : vector<128x4096xf32> to vector<128x64xf32>
    %max3A_131 = arith.maximumf %max3A_129, %slice3A_130 : vector<128x64xf32>
    %slice3A_132 = vector.extract_strided_slice %max3A_39 {offsets = [0, 3008], sizes = [128, 64], strides = [1, 1]} : vector<128x4096xf32> to vector<128x64xf32>
    %max3A_133 = arith.maximumf %max3A_131, %slice3A_132 : vector<128x64xf32>
    %slice3A_134 = vector.extract_strided_slice %max3A_39 {offsets = [0, 3072], sizes = [128, 64], strides = [1, 1]} : vector<128x4096xf32> to vector<128x64xf32>
    %max3A_135 = arith.maximumf %max3A_133, %slice3A_134 : vector<128x64xf32>
    %slice3A_136 = vector.extract_strided_slice %max3A_39 {offsets = [0, 3136], sizes = [128, 64], strides = [1, 1]} : vector<128x4096xf32> to vector<128x64xf32>
    %max3A_137 = arith.maximumf %max3A_135, %slice3A_136 : vector<128x64xf32>
    %slice3A_138 = vector.extract_strided_slice %max3A_39 {offsets = [0, 3200], sizes = [128, 64], strides = [1, 1]} : vector<128x4096xf32> to vector<128x64xf32>
    %max3A_139 = arith.maximumf %max3A_137, %slice3A_138 : vector<128x64xf32>
    %slice3A_140 = vector.extract_strided_slice %max3A_39 {offsets = [0, 3264], sizes = [128, 64], strides = [1, 1]} : vector<128x4096xf32> to vector<128x64xf32>
    %max3A_141 = arith.maximumf %max3A_139, %slice3A_140 : vector<128x64xf32>
    %slice3A_142 = vector.extract_strided_slice %max3A_39 {offsets = [0, 3328], sizes = [128, 64], strides = [1, 1]} : vector<128x4096xf32> to vector<128x64xf32>
    %max3A_143 = arith.maximumf %max3A_141, %slice3A_142 : vector<128x64xf32>
    %slice3A_144 = vector.extract_strided_slice %max3A_39 {offsets = [0, 3392], sizes = [128, 64], strides = [1, 1]} : vector<128x4096xf32> to vector<128x64xf32>
    %max3A_145 = arith.maximumf %max3A_143, %slice3A_144 : vector<128x64xf32>
    %slice3A_146 = vector.extract_strided_slice %max3A_39 {offsets = [0, 3456], sizes = [128, 64], strides = [1, 1]} : vector<128x4096xf32> to vector<128x64xf32>
    %max3A_147 = arith.maximumf %max3A_145, %slice3A_146 : vector<128x64xf32>
    %slice3A_148 = vector.extract_strided_slice %max3A_39 {offsets = [0, 3520], sizes = [128, 64], strides = [1, 1]} : vector<128x4096xf32> to vector<128x64xf32>
    %max3A_149 = arith.maximumf %max3A_147, %slice3A_148 : vector<128x64xf32>
    %slice3A_150 = vector.extract_strided_slice %max3A_39 {offsets = [0, 3584], sizes = [128, 64], strides = [1, 1]} : vector<128x4096xf32> to vector<128x64xf32>
    %max3A_151 = arith.maximumf %max3A_149, %slice3A_150 : vector<128x64xf32>
    %slice3A_152 = vector.extract_strided_slice %max3A_39 {offsets = [0, 3648], sizes = [128, 64], strides = [1, 1]} : vector<128x4096xf32> to vector<128x64xf32>
    %max3A_153 = arith.maximumf %max3A_151, %slice3A_152 : vector<128x64xf32>
    %slice3A_154 = vector.extract_strided_slice %max3A_39 {offsets = [0, 3712], sizes = [128, 64], strides = [1, 1]} : vector<128x4096xf32> to vector<128x64xf32>
    %max3A_155 = arith.maximumf %max3A_153, %slice3A_154 : vector<128x64xf32>
    %slice3A_156 = vector.extract_strided_slice %max3A_39 {offsets = [0, 3776], sizes = [128, 64], strides = [1, 1]} : vector<128x4096xf32> to vector<128x64xf32>
    %max3A_157 = arith.maximumf %max3A_155, %slice3A_156 : vector<128x64xf32>
    %slice3A_158 = vector.extract_strided_slice %max3A_39 {offsets = [0, 3840], sizes = [128, 64], strides = [1, 1]} : vector<128x4096xf32> to vector<128x64xf32>
    %max3A_159 = arith.maximumf %max3A_157, %slice3A_158 : vector<128x64xf32>
    %slice3A_160 = vector.extract_strided_slice %max3A_39 {offsets = [0, 3904], sizes = [128, 64], strides = [1, 1]} : vector<128x4096xf32> to vector<128x64xf32>
    %max3A_161 = arith.maximumf %max3A_159, %slice3A_160 : vector<128x64xf32>
    %slice3A_162 = vector.extract_strided_slice %max3A_39 {offsets = [0, 3968], sizes = [128, 64], strides = [1, 1]} : vector<128x4096xf32> to vector<128x64xf32>
    %max3A_163 = arith.maximumf %max3A_161, %slice3A_162 : vector<128x64xf32>
    %slice3A_164 = vector.extract_strided_slice %max3A_39 {offsets = [0, 4032], sizes = [128, 64], strides = [1, 1]} : vector<128x4096xf32> to vector<128x64xf32>
    %max3A_165 = arith.maximumf %max3A_163, %slice3A_164 : vector<128x64xf32>
    %swap3A = arith.constant 0 : index
    %swap3A_166 = arith.constant 0 : index
    %swap3A_167 = arith.constant 0 : index
    %swap3A_168 = vector.load %arg8[%swap3A, %swap3A_166, %swap3A_167] : memref<1x128x64xf32, #tpu.memory_space<vmem>>, vector<1x128x64xf32>
    %swap3A_169 = vector.shape_cast %swap3A_168 : vector<1x128x64xf32> to vector<128x64xf32>
    %swap3A_170 = vector.shape_cast %max3A_165 : vector<128x64xf32> to vector<1x128x64xf32>
    tpu.vector_store %arg8[%swap3A, %swap3A_166, %swap3A_167], %swap3A_170 {strides = array<i32>} : memref<1x128x64xf32, #tpu.memory_space<vmem>>, vector<1x128x64xf32>,
    return
  }
  func.func @transform_0(%arg0: i32) -> (i32, i32, i32) {
    %c0_i32 = arith.constant 0 : i32
    %c0_i32_0 = arith.constant 0 : i32
    %c0_i32_1 = arith.constant 0 : i32
    return %arg0, %c0_i32, %c0_i32_0 : i32, i32, i32
  }
  func.func @transform_1(%arg0: i32) -> (i32, i32) {
    %c0_i32 = arith.constant 0 : i32
    %c0_i32_0 = arith.constant 0 : i32
    %c0_i32_1 = arith.constant 0 : i32
    return %c0_i32, %c0_i32_0 : i32, i32
  }
  func.func @transform_2(%arg0: i32) -> (i32, i32) {
    %c0_i32 = arith.constant 0 : i32
    %c0_i32_0 = arith.constant 0 : i32
    %c0_i32_1 = arith.constant 0 : i32
    return %c0_i32, %c0_i32_0 : i32, i32
  }
  func.func @transform_3(%arg0: i32) -> (i32, i32) {
    %c0_i32 = arith.constant 0 : i32
    %c0_i32_0 = arith.constant 0 : i32
    %c0_i32_1 = arith.constant 0 : i32
    return %c0_i32, %c0_i32_0 : i32, i32
  }
  func.func @transform_4(%arg0: i32) -> (i32, i32) {
    %c0_i32 = arith.constant 0 : i32
    %c0_i32_0 = arith.constant 0 : i32
    %c0_i32_1 = arith.constant 0 : i32
    return %c0_i32, %c0_i32_0 : i32, i32
  }
  func.func @transform_5(%arg0: i32) -> (i32, i32) {
    %c0_i32 = arith.constant 0 : i32
    %c0_i32_0 = arith.constant 0 : i32
    %c0_i32_1 = arith.constant 0 : i32
    return %c0_i32, %c0_i32_0 : i32, i32
  }
  func.func @transform_6(%arg0: i32) -> (i32, i32) {
    %c0_i32 = arith.constant 0 : i32
    %c0_i32_0 = arith.constant 0 : i32
    %c0_i32_1 = arith.constant 0 : i32
    return %c0_i32, %c0_i32_0 : i32, i32
  }
  func.func @transform_7(%arg0: i32) -> (i32, i32, i32) {
    %c0_i32 = arith.constant 0 : i32
    %c0_i32_0 = arith.constant 0 : i32
    %c0_i32_1 = arith.constant 0 : i32
    return %arg0, %c0_i32, %c0_i32_0 : i32, i32, i32
  }
}

module attributes {stable_mosaic.version = 14 : i64} {
  func.func @_ballq_body(%arg0: i32, %arg1: memref<16x3xf32, #tpu.memory_space<vmem>>, %arg2: memref<3x4096xf32, #tpu.memory_space<vmem>>, %arg3: memref<16x64xi32, #tpu.memory_space<vmem>>) attributes {dimension_semantics = [#tpu.dimension_semantics<arbitrary>], iteration_bounds = array<i64: 64>, scalar_prefetch = 0 : i64, scratch_operands = 0 : i64, tpu.core_type = #tpu.core_type<tc>, window_params = [{transform_indices = @transform_0, window_bounds = array<i64: 16, 3>}, {pipeline_mode = #tpu.pipeline_mode<synchronous>, transform_indices = @transform_1, window_bounds = array<i64: 3, 4096>}, {transform_indices = @transform_2, window_bounds = array<i64: 16, 64>}]} {
    %get3A = arith.constant 0 : index
    %get3A_0 = arith.constant 0 : index
    %get3A_1 = vector.load %arg1[%get3A, %get3A_0] : memref<16x3xf32, #tpu.memory_space<vmem>>, vector<16x3xf32>
    %get3A_2 = arith.constant 0 : index
    %get3A_3 = arith.constant 0 : index
    %get3A_4 = vector.load %arg2[%get3A_2, %get3A_3] : memref<3x4096xf32, #tpu.memory_space<vmem>>, vector<3x4096xf32>
    %dot_general3A = arith.constant dense<0.000000e+00> : vector<16x4096xf32>
    %dot_general3A_5 = tpu.matmul %get3A_1, %get3A_4, %dot_general3A {dimension_numbers = #tpu.dot_dimension_numbers<[1], [0], [0], [1], [0, 0, 1, 1], [], []>, transpose_lhs_hint = false} : vector<16x3xf32>, vector<3x4096xf32>, vector<16x4096xf32> -> vector<16x4096xf32>
    %mul3A = arith.constant -2.000000e+00 : f32
    %mul3A_6 = vector.broadcast %mul3A : f32 to vector<16x4096xf32>
    %mul3A_7 = arith.mulf %mul3A_6, %dot_general3A_5 : vector<16x4096xf32>
    %mul3A_8 = arith.mulf %get3A_1, %get3A_1 : vector<16x3xf32>
    %reduce_sum3A = arith.constant dense<0.000000e+00> : vector<16xf32>
    %reduce_sum3A_9 = vector.multi_reduction <add>, %mul3A_8, %reduce_sum3A [1] : vector<16x3xf32> to vector<16xf32>
    %broadcast_in_dim3A = vector.shape_cast %reduce_sum3A_9 : vector<16xf32> to vector<16x1xf32>
    %add3A = vector.broadcast %broadcast_in_dim3A : vector<16x1xf32> to vector<16x4096xf32>
    %add3A_10 = arith.addf %mul3A_7, %add3A : vector<16x4096xf32>
    %mul3A_11 = arith.mulf %get3A_4, %get3A_4 : vector<3x4096xf32>
    %reduce_sum3A_12 = arith.constant dense<0.000000e+00> : vector<4096xf32>
    %reduce_sum3A_13 = vector.multi_reduction <add>, %mul3A_11, %reduce_sum3A_12 [0] : vector<3x4096xf32> to vector<4096xf32>
    %broadcast_in_dim3A_14 = vector.shape_cast %reduce_sum3A_13 : vector<4096xf32> to vector<1x4096xf32>
    %add3A_15 = vector.broadcast %broadcast_in_dim3A_14 : vector<1x4096xf32> to vector<16x4096xf32>
    %add3A_16 = arith.addf %add3A_10, %add3A_15 : vector<16x4096xf32>
    %le3A = arith.constant 1.600000e-01 : f32
    %le3A_17 = vector.broadcast %le3A : f32 to vector<16x4096xf32>
    %le3A_18 = arith.cmpf ole, %add3A_16, %le3A_17 : vector<16x4096xf32>
    %convert_element_type3A = arith.extui %le3A_18 : vector<16x4096xi1> to vector<16x4096xi32>
    %convert_element_type3A_19 = arith.sitofp %convert_element_type3A : vector<16x4096xi32> to vector<16x4096xf32>
    %iota3A = tpu.iota {dimensions = array<i32: 1>} : vector<16x4096xi32>
    %roll3A = arith.constant 1 : i32
    %roll3A_20 = tpu.dynamic_rotate %convert_element_type3A_19 by %roll3A dim 1 : vector<16x4096xf32>, i32 -> vector<16x4096xf32>
    %ge3A = arith.constant 1 : i32
    %ge3A_21 = vector.broadcast %ge3A : i32 to vector<16x4096xi32>
    %ge3A_22 = arith.cmpi sge, %iota3A, %ge3A_21 : vector<16x4096xi32>
    %jit3A = arith.constant 0.000000e+00 : f32
    %broadcast_in_dim3A_23 = vector.broadcast %jit3A : f32 to vector<16x4096xf32>
    %select_n3A = arith.select %ge3A_22, %roll3A_20, %broadcast_in_dim3A_23 : vector<16x4096xi1>, vector<16x4096xf32>
    %add3A_24 = arith.addf %convert_element_type3A_19, %select_n3A : vector<16x4096xf32>
    %roll3A_25 = arith.constant 2 : i32
    %roll3A_26 = tpu.dynamic_rotate %add3A_24 by %roll3A_25 dim 1 : vector<16x4096xf32>, i32 -> vector<16x4096xf32>
    %ge3A_27 = arith.constant 2 : i32
    %ge3A_28 = vector.broadcast %ge3A_27 : i32 to vector<16x4096xi32>
    %ge3A_29 = arith.cmpi sge, %iota3A, %ge3A_28 : vector<16x4096xi32>
    %jit3A_30 = arith.constant 0.000000e+00 : f32
    %broadcast_in_dim3A_31 = vector.broadcast %jit3A_30 : f32 to vector<16x4096xf32>
    %select_n3A_32 = arith.select %ge3A_29, %roll3A_26, %broadcast_in_dim3A_31 : vector<16x4096xi1>, vector<16x4096xf32>
    %add3A_33 = arith.addf %add3A_24, %select_n3A_32 : vector<16x4096xf32>
    %roll3A_34 = arith.constant 4 : i32
    %roll3A_35 = tpu.dynamic_rotate %add3A_33 by %roll3A_34 dim 1 : vector<16x4096xf32>, i32 -> vector<16x4096xf32>
    %ge3A_36 = arith.constant 4 : i32
    %ge3A_37 = vector.broadcast %ge3A_36 : i32 to vector<16x4096xi32>
    %ge3A_38 = arith.cmpi sge, %iota3A, %ge3A_37 : vector<16x4096xi32>
    %jit3A_39 = arith.constant 0.000000e+00 : f32
    %broadcast_in_dim3A_40 = vector.broadcast %jit3A_39 : f32 to vector<16x4096xf32>
    %select_n3A_41 = arith.select %ge3A_38, %roll3A_35, %broadcast_in_dim3A_40 : vector<16x4096xi1>, vector<16x4096xf32>
    %add3A_42 = arith.addf %add3A_33, %select_n3A_41 : vector<16x4096xf32>
    %roll3A_43 = arith.constant 8 : i32
    %roll3A_44 = tpu.dynamic_rotate %add3A_42 by %roll3A_43 dim 1 : vector<16x4096xf32>, i32 -> vector<16x4096xf32>
    %ge3A_45 = arith.constant 8 : i32
    %ge3A_46 = vector.broadcast %ge3A_45 : i32 to vector<16x4096xi32>
    %ge3A_47 = arith.cmpi sge, %iota3A, %ge3A_46 : vector<16x4096xi32>
    %jit3A_48 = arith.constant 0.000000e+00 : f32
    %broadcast_in_dim3A_49 = vector.broadcast %jit3A_48 : f32 to vector<16x4096xf32>
    %select_n3A_50 = arith.select %ge3A_47, %roll3A_44, %broadcast_in_dim3A_49 : vector<16x4096xi1>, vector<16x4096xf32>
    %add3A_51 = arith.addf %add3A_42, %select_n3A_50 : vector<16x4096xf32>
    %roll3A_52 = arith.constant 16 : i32
    %roll3A_53 = tpu.dynamic_rotate %add3A_51 by %roll3A_52 dim 1 : vector<16x4096xf32>, i32 -> vector<16x4096xf32>
    %ge3A_54 = arith.constant 16 : i32
    %ge3A_55 = vector.broadcast %ge3A_54 : i32 to vector<16x4096xi32>
    %ge3A_56 = arith.cmpi sge, %iota3A, %ge3A_55 : vector<16x4096xi32>
    %jit3A_57 = arith.constant 0.000000e+00 : f32
    %broadcast_in_dim3A_58 = vector.broadcast %jit3A_57 : f32 to vector<16x4096xf32>
    %select_n3A_59 = arith.select %ge3A_56, %roll3A_53, %broadcast_in_dim3A_58 : vector<16x4096xi1>, vector<16x4096xf32>
    %add3A_60 = arith.addf %add3A_51, %select_n3A_59 : vector<16x4096xf32>
    %roll3A_61 = arith.constant 32 : i32
    %roll3A_62 = tpu.dynamic_rotate %add3A_60 by %roll3A_61 dim 1 : vector<16x4096xf32>, i32 -> vector<16x4096xf32>
    %ge3A_63 = arith.constant 32 : i32
    %ge3A_64 = vector.broadcast %ge3A_63 : i32 to vector<16x4096xi32>
    %ge3A_65 = arith.cmpi sge, %iota3A, %ge3A_64 : vector<16x4096xi32>
    %jit3A_66 = arith.constant 0.000000e+00 : f32
    %broadcast_in_dim3A_67 = vector.broadcast %jit3A_66 : f32 to vector<16x4096xf32>
    %select_n3A_68 = arith.select %ge3A_65, %roll3A_62, %broadcast_in_dim3A_67 : vector<16x4096xi1>, vector<16x4096xf32>
    %add3A_69 = arith.addf %add3A_60, %select_n3A_68 : vector<16x4096xf32>
    %roll3A_70 = arith.constant 64 : i32
    %roll3A_71 = tpu.dynamic_rotate %add3A_69 by %roll3A_70 dim 1 : vector<16x4096xf32>, i32 -> vector<16x4096xf32>
    %ge3A_72 = arith.constant 64 : i32
    %ge3A_73 = vector.broadcast %ge3A_72 : i32 to vector<16x4096xi32>
    %ge3A_74 = arith.cmpi sge, %iota3A, %ge3A_73 : vector<16x4096xi32>
    %jit3A_75 = arith.constant 0.000000e+00 : f32
    %broadcast_in_dim3A_76 = vector.broadcast %jit3A_75 : f32 to vector<16x4096xf32>
    %select_n3A_77 = arith.select %ge3A_74, %roll3A_71, %broadcast_in_dim3A_76 : vector<16x4096xi1>, vector<16x4096xf32>
    %add3A_78 = arith.addf %add3A_69, %select_n3A_77 : vector<16x4096xf32>
    %roll3A_79 = arith.constant 128 : i32
    %roll3A_80 = tpu.dynamic_rotate %add3A_78 by %roll3A_79 dim 1 : vector<16x4096xf32>, i32 -> vector<16x4096xf32>
    %ge3A_81 = arith.constant 128 : i32
    %ge3A_82 = vector.broadcast %ge3A_81 : i32 to vector<16x4096xi32>
    %ge3A_83 = arith.cmpi sge, %iota3A, %ge3A_82 : vector<16x4096xi32>
    %jit3A_84 = arith.constant 0.000000e+00 : f32
    %broadcast_in_dim3A_85 = vector.broadcast %jit3A_84 : f32 to vector<16x4096xf32>
    %select_n3A_86 = arith.select %ge3A_83, %roll3A_80, %broadcast_in_dim3A_85 : vector<16x4096xi1>, vector<16x4096xf32>
    %add3A_87 = arith.addf %add3A_78, %select_n3A_86 : vector<16x4096xf32>
    %roll3A_88 = arith.constant 256 : i32
    %roll3A_89 = tpu.dynamic_rotate %add3A_87 by %roll3A_88 dim 1 : vector<16x4096xf32>, i32 -> vector<16x4096xf32>
    %ge3A_90 = arith.constant 256 : i32
    %ge3A_91 = vector.broadcast %ge3A_90 : i32 to vector<16x4096xi32>
    %ge3A_92 = arith.cmpi sge, %iota3A, %ge3A_91 : vector<16x4096xi32>
    %jit3A_93 = arith.constant 0.000000e+00 : f32
    %broadcast_in_dim3A_94 = vector.broadcast %jit3A_93 : f32 to vector<16x4096xf32>
    %select_n3A_95 = arith.select %ge3A_92, %roll3A_89, %broadcast_in_dim3A_94 : vector<16x4096xi1>, vector<16x4096xf32>
    %add3A_96 = arith.addf %add3A_87, %select_n3A_95 : vector<16x4096xf32>
    %roll3A_97 = arith.constant 512 : i32
    %roll3A_98 = tpu.dynamic_rotate %add3A_96 by %roll3A_97 dim 1 : vector<16x4096xf32>, i32 -> vector<16x4096xf32>
    %ge3A_99 = arith.constant 512 : i32
    %ge3A_100 = vector.broadcast %ge3A_99 : i32 to vector<16x4096xi32>
    %ge3A_101 = arith.cmpi sge, %iota3A, %ge3A_100 : vector<16x4096xi32>
    %jit3A_102 = arith.constant 0.000000e+00 : f32
    %broadcast_in_dim3A_103 = vector.broadcast %jit3A_102 : f32 to vector<16x4096xf32>
    %select_n3A_104 = arith.select %ge3A_101, %roll3A_98, %broadcast_in_dim3A_103 : vector<16x4096xi1>, vector<16x4096xf32>
    %add3A_105 = arith.addf %add3A_96, %select_n3A_104 : vector<16x4096xf32>
    %roll3A_106 = arith.constant 1024 : i32
    %roll3A_107 = tpu.dynamic_rotate %add3A_105 by %roll3A_106 dim 1 : vector<16x4096xf32>, i32 -> vector<16x4096xf32>
    %ge3A_108 = arith.constant 1024 : i32
    %ge3A_109 = vector.broadcast %ge3A_108 : i32 to vector<16x4096xi32>
    %ge3A_110 = arith.cmpi sge, %iota3A, %ge3A_109 : vector<16x4096xi32>
    %jit3A_111 = arith.constant 0.000000e+00 : f32
    %broadcast_in_dim3A_112 = vector.broadcast %jit3A_111 : f32 to vector<16x4096xf32>
    %select_n3A_113 = arith.select %ge3A_110, %roll3A_107, %broadcast_in_dim3A_112 : vector<16x4096xi1>, vector<16x4096xf32>
    %add3A_114 = arith.addf %add3A_105, %select_n3A_113 : vector<16x4096xf32>
    %roll3A_115 = arith.constant 2048 : i32
    %roll3A_116 = tpu.dynamic_rotate %add3A_114 by %roll3A_115 dim 1 : vector<16x4096xf32>, i32 -> vector<16x4096xf32>
    %ge3A_117 = arith.constant 2048 : i32
    %ge3A_118 = vector.broadcast %ge3A_117 : i32 to vector<16x4096xi32>
    %ge3A_119 = arith.cmpi sge, %iota3A, %ge3A_118 : vector<16x4096xi32>
    %jit3A_120 = arith.constant 0.000000e+00 : f32
    %broadcast_in_dim3A_121 = vector.broadcast %jit3A_120 : f32 to vector<16x4096xf32>
    %select_n3A_122 = arith.select %ge3A_119, %roll3A_116, %broadcast_in_dim3A_121 : vector<16x4096xi1>, vector<16x4096xf32>
    %add3A_123 = arith.addf %add3A_114, %select_n3A_122 : vector<16x4096xf32>
    %iota3A_124 = tpu.iota {dimensions = array<i32: 1>} : vector<16x64xi32>
    %broadcast_in_dim3A_125 = arith.constant 0.000000e+00 : f32
    %broadcast_in_dim3A_126 = vector.broadcast %broadcast_in_dim3A_125 : f32 to vector<16x64xf32>
    %scan3A = arith.constant 0 : i32
    %scan3A_127 = arith.constant 64 : i32
    %scan3A_128 = arith.addi %scan3A, %scan3A_127 : i32
    %scan3A_129 = arith.constant 1 : i32
    %scan3A_130 = scf.for %scan3A_141 = %scan3A to %scan3A_128 step %scan3A_129 iter_args(%scan3A_142 = %broadcast_in_dim3A_126) -> (vector<16x64xf32>)  : i32 {
      %convert_element_type3A_143 = arith.sitofp %scan3A_141 : i32 to f32
      %le3A_144 = vector.broadcast %convert_element_type3A_143 : f32 to vector<16x4096xf32>
      %le3A_145 = arith.cmpf ole, %add3A_123, %le3A_144 : vector<16x4096xf32>
      %convert_element_type3A_146 = arith.extui %le3A_145 : vector<16x4096xi1> to vector<16x4096xi32>
      %convert_element_type3A_147 = arith.sitofp %convert_element_type3A_146 : vector<16x4096xi32> to vector<16x4096xf32>
      %reduce_sum3A_148 = arith.constant dense<0.000000e+00> : vector<16xf32>
      %reduce_sum3A_149 = vector.multi_reduction <add>, %convert_element_type3A_147, %reduce_sum3A_148 [1] : vector<16x4096xf32> to vector<16xf32>
      %broadcast_in_dim3A_150 = vector.shape_cast %reduce_sum3A_149 : vector<16xf32> to vector<16x1xf32>
      %eq3A = vector.broadcast %scan3A_141 : i32 to vector<16x64xi32>
      %eq3A_151 = arith.cmpi eq, %iota3A_124, %eq3A : vector<16x64xi32>
      %jit3A_152 = arith.constant 0.000000e+00 : f32
      %broadcast_in_dim3A_153 = vector.shape_cast %broadcast_in_dim3A_150 : vector<16x1xf32> to vector<16x1xf32>
      %broadcast_in_dim3A_154 = vector.broadcast %broadcast_in_dim3A_153 : vector<16x1xf32> to vector<16x64xf32>
      %broadcast_in_dim3A_155 = vector.broadcast %jit3A_152 : f32 to vector<16x64xf32>
      %select_n3A_156 = arith.select %eq3A_151, %broadcast_in_dim3A_154, %broadcast_in_dim3A_155 : vector<16x64xi1>, vector<16x64xf32>
      %add3A_157 = arith.addf %scan3A_142, %select_n3A_156 : vector<16x64xf32>
      scf.yield %add3A_157 : vector<16x64xf32>
    }
    %scan3A_131 = arith.constant 64 : i32
    %slice3A = vector.extract_strided_slice %scan3A_130 {offsets = [0, 0], sizes = [16, 1], strides = [1, 1]} : vector<16x64xf32> to vector<16x1xf32>
    %ge3A_132 = arith.constant 4.096000e+03 : f32
    %ge3A_133 = vector.broadcast %ge3A_132 : f32 to vector<16x64xf32>
    %ge3A_134 = arith.cmpf oge, %scan3A_130, %ge3A_133 : vector<16x64xf32>
    %broadcast_in_dim3A_135 = vector.shape_cast %slice3A : vector<16x1xf32> to vector<16x1xf32>
    %broadcast_in_dim3A_136 = vector.broadcast %broadcast_in_dim3A_135 : vector<16x1xf32> to vector<16x64xf32>
    %select_n3A_137 = arith.select %ge3A_134, %broadcast_in_dim3A_136, %scan3A_130 : vector<16x64xi1>, vector<16x64xf32>
    %convert_element_type3A_138 = arith.fptosi %select_n3A_137 : vector<16x64xf32> to vector<16x64xi32>
    %swap3A = arith.constant 0 : index
    %swap3A_139 = arith.constant 0 : index
    %swap3A_140 = vector.load %arg3[%swap3A, %swap3A_139] : memref<16x64xi32, #tpu.memory_space<vmem>>, vector<16x64xi32>
    tpu.vector_store %arg3[%swap3A, %swap3A_139], %convert_element_type3A_138 {strides = array<i32>} : memref<16x64xi32, #tpu.memory_space<vmem>>, vector<16x64xi32>,
    return
  }
  func.func @transform_0(%arg0: i32) -> (i32, i32) {
    %c0_i32 = arith.constant 0 : i32
    %c0_i32_0 = arith.constant 0 : i32
    return %arg0, %c0_i32 : i32, i32
  }
  func.func @transform_1(%arg0: i32) -> (i32, i32) {
    %c0_i32 = arith.constant 0 : i32
    %c0_i32_0 = arith.constant 0 : i32
    %c0_i32_1 = arith.constant 0 : i32
    return %c0_i32, %c0_i32_0 : i32, i32
  }
  func.func @transform_2(%arg0: i32) -> (i32, i32) {
    %c0_i32 = arith.constant 0 : i32
    %c0_i32_0 = arith.constant 0 : i32
    return %arg0, %c0_i32 : i32, i32
  }
}

module attributes {stable_mosaic.version = 14 : i64} {
  func.func @_sa_mlp_body(%arg0: i32, %arg1: memref<1x131x4096xf32, #tpu.memory_space<vmem>>, %arg2: memref<128x131xf32, #tpu.memory_space<vmem>>, %arg3: memref<128x1xf32, #tpu.memory_space<vmem>>, %arg4: memref<128x128xf32, #tpu.memory_space<vmem>>, %arg5: memref<128x1xf32, #tpu.memory_space<vmem>>, %arg6: memref<256x128xf32, #tpu.memory_space<vmem>>, %arg7: memref<256x1xf32, #tpu.memory_space<vmem>>, %arg8: memref<1x256x64xf32, #tpu.memory_space<vmem>>) attributes {dimension_semantics = [#tpu.dimension_semantics<arbitrary>], iteration_bounds = array<i64: 16>, scalar_prefetch = 0 : i64, scratch_operands = 0 : i64, tpu.core_type = #tpu.core_type<tc>, window_params = [{transform_indices = @transform_0, window_bounds = array<i64: 1, 131, 4096>}, {pipeline_mode = #tpu.pipeline_mode<synchronous>, transform_indices = @transform_1, window_bounds = array<i64: 128, 131>}, {pipeline_mode = #tpu.pipeline_mode<synchronous>, transform_indices = @transform_2, window_bounds = array<i64: 128, 1>}, {pipeline_mode = #tpu.pipeline_mode<synchronous>, transform_indices = @transform_3, window_bounds = array<i64: 128, 128>}, {pipeline_mode = #tpu.pipeline_mode<synchronous>, transform_indices = @transform_4, window_bounds = array<i64: 128, 1>}, {pipeline_mode = #tpu.pipeline_mode<synchronous>, transform_indices = @transform_5, window_bounds = array<i64: 256, 128>}, {pipeline_mode = #tpu.pipeline_mode<synchronous>, transform_indices = @transform_6, window_bounds = array<i64: 256, 1>}, {transform_indices = @transform_7, window_bounds = array<i64: 1, 256, 64>}]} {
    %get3A = arith.constant 0 : index
    %get3A_0 = arith.constant 0 : index
    %get3A_1 = arith.constant 0 : index
    %get3A_2 = vector.load %arg1[%get3A, %get3A_0, %get3A_1] : memref<1x131x4096xf32, #tpu.memory_space<vmem>>, vector<1x131x4096xf32>
    %get3A_3 = vector.shape_cast %get3A_2 : vector<1x131x4096xf32> to vector<131x4096xf32>
    %get3A_4 = arith.constant 0 : index
    %get3A_5 = arith.constant 0 : index
    %get3A_6 = vector.load %arg2[%get3A_4, %get3A_5] : memref<128x131xf32, #tpu.memory_space<vmem>>, vector<128x131xf32>
    %get3A_7 = arith.constant 0 : index
    %get3A_8 = arith.constant 0 : index
    %get3A_9 = vector.load %arg3[%get3A_7, %get3A_8] : memref<128x1xf32, #tpu.memory_space<vmem>>, vector<128x1xf32>
    %dot_general3A = arith.constant dense<0.000000e+00> : vector<128x4096xf32>
    %dot_general3A_10 = tpu.matmul %get3A_6, %get3A_3, %dot_general3A {dimension_numbers = #tpu.dot_dimension_numbers<[1], [0], [0], [1], [0, 0, 1, 1], [], []>, transpose_lhs_hint = false} : vector<128x131xf32>, vector<131x4096xf32>, vector<128x4096xf32> -> vector<128x4096xf32>
    %add3A = vector.broadcast %get3A_9 : vector<128x1xf32> to vector<128x4096xf32>
    %add3A_11 = arith.addf %dot_general3A_10, %add3A : vector<128x4096xf32>
    %max3A = arith.constant 0.000000e+00 : f32
    %max3A_12 = vector.broadcast %max3A : f32 to vector<128x4096xf32>
    %max3A_13 = arith.maximumf %add3A_11, %max3A_12 : vector<128x4096xf32>
    %get3A_14 = arith.constant 0 : index
    %get3A_15 = arith.constant 0 : index
    %get3A_16 = vector.load %arg4[%get3A_14, %get3A_15] : memref<128x128xf32, #tpu.memory_space<vmem>>, vector<128x128xf32>
    %get3A_17 = arith.constant 0 : index
    %get3A_18 = arith.constant 0 : index
    %get3A_19 = vector.load %arg5[%get3A_17, %get3A_18] : memref<128x1xf32, #tpu.memory_space<vmem>>, vector<128x1xf32>
    %dot_general3A_20 = arith.constant dense<0.000000e+00> : vector<128x4096xf32>
    %dot_general3A_21 = tpu.matmul %get3A_16, %max3A_13, %dot_general3A_20 {dimension_numbers = #tpu.dot_dimension_numbers<[1], [0], [0], [1], [0, 0, 1, 1], [], []>, transpose_lhs_hint = false} : vector<128x128xf32>, vector<128x4096xf32>, vector<128x4096xf32> -> vector<128x4096xf32>
    %add3A_22 = vector.broadcast %get3A_19 : vector<128x1xf32> to vector<128x4096xf32>
    %add3A_23 = arith.addf %dot_general3A_21, %add3A_22 : vector<128x4096xf32>
    %max3A_24 = arith.constant 0.000000e+00 : f32
    %max3A_25 = vector.broadcast %max3A_24 : f32 to vector<128x4096xf32>
    %max3A_26 = arith.maximumf %add3A_23, %max3A_25 : vector<128x4096xf32>
    %get3A_27 = arith.constant 0 : index
    %get3A_28 = arith.constant 0 : index
    %get3A_29 = vector.load %arg6[%get3A_27, %get3A_28] : memref<256x128xf32, #tpu.memory_space<vmem>>, vector<256x128xf32>
    %get3A_30 = arith.constant 0 : index
    %get3A_31 = arith.constant 0 : index
    %get3A_32 = vector.load %arg7[%get3A_30, %get3A_31] : memref<256x1xf32, #tpu.memory_space<vmem>>, vector<256x1xf32>
    %dot_general3A_33 = arith.constant dense<0.000000e+00> : vector<256x4096xf32>
    %dot_general3A_34 = tpu.matmul %get3A_29, %max3A_26, %dot_general3A_33 {dimension_numbers = #tpu.dot_dimension_numbers<[1], [0], [0], [1], [0, 0, 1, 1], [], []>, transpose_lhs_hint = false} : vector<256x128xf32>, vector<128x4096xf32>, vector<256x4096xf32> -> vector<256x4096xf32>
    %add3A_35 = vector.broadcast %get3A_32 : vector<256x1xf32> to vector<256x4096xf32>
    %add3A_36 = arith.addf %dot_general3A_34, %add3A_35 : vector<256x4096xf32>
    %max3A_37 = arith.constant 0.000000e+00 : f32
    %max3A_38 = vector.broadcast %max3A_37 : f32 to vector<256x4096xf32>
    %max3A_39 = arith.maximumf %add3A_36, %max3A_38 : vector<256x4096xf32>
    %slice3A = vector.extract_strided_slice %max3A_39 {offsets = [0, 0], sizes = [256, 64], strides = [1, 1]} : vector<256x4096xf32> to vector<256x64xf32>
    %slice3A_40 = vector.extract_strided_slice %max3A_39 {offsets = [0, 64], sizes = [256, 64], strides = [1, 1]} : vector<256x4096xf32> to vector<256x64xf32>
    %max3A_41 = arith.maximumf %slice3A, %slice3A_40 : vector<256x64xf32>
    %slice3A_42 = vector.extract_strided_slice %max3A_39 {offsets = [0, 128], sizes = [256, 64], strides = [1, 1]} : vector<256x4096xf32> to vector<256x64xf32>
    %max3A_43 = arith.maximumf %max3A_41, %slice3A_42 : vector<256x64xf32>
    %slice3A_44 = vector.extract_strided_slice %max3A_39 {offsets = [0, 192], sizes = [256, 64], strides = [1, 1]} : vector<256x4096xf32> to vector<256x64xf32>
    %max3A_45 = arith.maximumf %max3A_43, %slice3A_44 : vector<256x64xf32>
    %slice3A_46 = vector.extract_strided_slice %max3A_39 {offsets = [0, 256], sizes = [256, 64], strides = [1, 1]} : vector<256x4096xf32> to vector<256x64xf32>
    %max3A_47 = arith.maximumf %max3A_45, %slice3A_46 : vector<256x64xf32>
    %slice3A_48 = vector.extract_strided_slice %max3A_39 {offsets = [0, 320], sizes = [256, 64], strides = [1, 1]} : vector<256x4096xf32> to vector<256x64xf32>
    %max3A_49 = arith.maximumf %max3A_47, %slice3A_48 : vector<256x64xf32>
    %slice3A_50 = vector.extract_strided_slice %max3A_39 {offsets = [0, 384], sizes = [256, 64], strides = [1, 1]} : vector<256x4096xf32> to vector<256x64xf32>
    %max3A_51 = arith.maximumf %max3A_49, %slice3A_50 : vector<256x64xf32>
    %slice3A_52 = vector.extract_strided_slice %max3A_39 {offsets = [0, 448], sizes = [256, 64], strides = [1, 1]} : vector<256x4096xf32> to vector<256x64xf32>
    %max3A_53 = arith.maximumf %max3A_51, %slice3A_52 : vector<256x64xf32>
    %slice3A_54 = vector.extract_strided_slice %max3A_39 {offsets = [0, 512], sizes = [256, 64], strides = [1, 1]} : vector<256x4096xf32> to vector<256x64xf32>
    %max3A_55 = arith.maximumf %max3A_53, %slice3A_54 : vector<256x64xf32>
    %slice3A_56 = vector.extract_strided_slice %max3A_39 {offsets = [0, 576], sizes = [256, 64], strides = [1, 1]} : vector<256x4096xf32> to vector<256x64xf32>
    %max3A_57 = arith.maximumf %max3A_55, %slice3A_56 : vector<256x64xf32>
    %slice3A_58 = vector.extract_strided_slice %max3A_39 {offsets = [0, 640], sizes = [256, 64], strides = [1, 1]} : vector<256x4096xf32> to vector<256x64xf32>
    %max3A_59 = arith.maximumf %max3A_57, %slice3A_58 : vector<256x64xf32>
    %slice3A_60 = vector.extract_strided_slice %max3A_39 {offsets = [0, 704], sizes = [256, 64], strides = [1, 1]} : vector<256x4096xf32> to vector<256x64xf32>
    %max3A_61 = arith.maximumf %max3A_59, %slice3A_60 : vector<256x64xf32>
    %slice3A_62 = vector.extract_strided_slice %max3A_39 {offsets = [0, 768], sizes = [256, 64], strides = [1, 1]} : vector<256x4096xf32> to vector<256x64xf32>
    %max3A_63 = arith.maximumf %max3A_61, %slice3A_62 : vector<256x64xf32>
    %slice3A_64 = vector.extract_strided_slice %max3A_39 {offsets = [0, 832], sizes = [256, 64], strides = [1, 1]} : vector<256x4096xf32> to vector<256x64xf32>
    %max3A_65 = arith.maximumf %max3A_63, %slice3A_64 : vector<256x64xf32>
    %slice3A_66 = vector.extract_strided_slice %max3A_39 {offsets = [0, 896], sizes = [256, 64], strides = [1, 1]} : vector<256x4096xf32> to vector<256x64xf32>
    %max3A_67 = arith.maximumf %max3A_65, %slice3A_66 : vector<256x64xf32>
    %slice3A_68 = vector.extract_strided_slice %max3A_39 {offsets = [0, 960], sizes = [256, 64], strides = [1, 1]} : vector<256x4096xf32> to vector<256x64xf32>
    %max3A_69 = arith.maximumf %max3A_67, %slice3A_68 : vector<256x64xf32>
    %slice3A_70 = vector.extract_strided_slice %max3A_39 {offsets = [0, 1024], sizes = [256, 64], strides = [1, 1]} : vector<256x4096xf32> to vector<256x64xf32>
    %max3A_71 = arith.maximumf %max3A_69, %slice3A_70 : vector<256x64xf32>
    %slice3A_72 = vector.extract_strided_slice %max3A_39 {offsets = [0, 1088], sizes = [256, 64], strides = [1, 1]} : vector<256x4096xf32> to vector<256x64xf32>
    %max3A_73 = arith.maximumf %max3A_71, %slice3A_72 : vector<256x64xf32>
    %slice3A_74 = vector.extract_strided_slice %max3A_39 {offsets = [0, 1152], sizes = [256, 64], strides = [1, 1]} : vector<256x4096xf32> to vector<256x64xf32>
    %max3A_75 = arith.maximumf %max3A_73, %slice3A_74 : vector<256x64xf32>
    %slice3A_76 = vector.extract_strided_slice %max3A_39 {offsets = [0, 1216], sizes = [256, 64], strides = [1, 1]} : vector<256x4096xf32> to vector<256x64xf32>
    %max3A_77 = arith.maximumf %max3A_75, %slice3A_76 : vector<256x64xf32>
    %slice3A_78 = vector.extract_strided_slice %max3A_39 {offsets = [0, 1280], sizes = [256, 64], strides = [1, 1]} : vector<256x4096xf32> to vector<256x64xf32>
    %max3A_79 = arith.maximumf %max3A_77, %slice3A_78 : vector<256x64xf32>
    %slice3A_80 = vector.extract_strided_slice %max3A_39 {offsets = [0, 1344], sizes = [256, 64], strides = [1, 1]} : vector<256x4096xf32> to vector<256x64xf32>
    %max3A_81 = arith.maximumf %max3A_79, %slice3A_80 : vector<256x64xf32>
    %slice3A_82 = vector.extract_strided_slice %max3A_39 {offsets = [0, 1408], sizes = [256, 64], strides = [1, 1]} : vector<256x4096xf32> to vector<256x64xf32>
    %max3A_83 = arith.maximumf %max3A_81, %slice3A_82 : vector<256x64xf32>
    %slice3A_84 = vector.extract_strided_slice %max3A_39 {offsets = [0, 1472], sizes = [256, 64], strides = [1, 1]} : vector<256x4096xf32> to vector<256x64xf32>
    %max3A_85 = arith.maximumf %max3A_83, %slice3A_84 : vector<256x64xf32>
    %slice3A_86 = vector.extract_strided_slice %max3A_39 {offsets = [0, 1536], sizes = [256, 64], strides = [1, 1]} : vector<256x4096xf32> to vector<256x64xf32>
    %max3A_87 = arith.maximumf %max3A_85, %slice3A_86 : vector<256x64xf32>
    %slice3A_88 = vector.extract_strided_slice %max3A_39 {offsets = [0, 1600], sizes = [256, 64], strides = [1, 1]} : vector<256x4096xf32> to vector<256x64xf32>
    %max3A_89 = arith.maximumf %max3A_87, %slice3A_88 : vector<256x64xf32>
    %slice3A_90 = vector.extract_strided_slice %max3A_39 {offsets = [0, 1664], sizes = [256, 64], strides = [1, 1]} : vector<256x4096xf32> to vector<256x64xf32>
    %max3A_91 = arith.maximumf %max3A_89, %slice3A_90 : vector<256x64xf32>
    %slice3A_92 = vector.extract_strided_slice %max3A_39 {offsets = [0, 1728], sizes = [256, 64], strides = [1, 1]} : vector<256x4096xf32> to vector<256x64xf32>
    %max3A_93 = arith.maximumf %max3A_91, %slice3A_92 : vector<256x64xf32>
    %slice3A_94 = vector.extract_strided_slice %max3A_39 {offsets = [0, 1792], sizes = [256, 64], strides = [1, 1]} : vector<256x4096xf32> to vector<256x64xf32>
    %max3A_95 = arith.maximumf %max3A_93, %slice3A_94 : vector<256x64xf32>
    %slice3A_96 = vector.extract_strided_slice %max3A_39 {offsets = [0, 1856], sizes = [256, 64], strides = [1, 1]} : vector<256x4096xf32> to vector<256x64xf32>
    %max3A_97 = arith.maximumf %max3A_95, %slice3A_96 : vector<256x64xf32>
    %slice3A_98 = vector.extract_strided_slice %max3A_39 {offsets = [0, 1920], sizes = [256, 64], strides = [1, 1]} : vector<256x4096xf32> to vector<256x64xf32>
    %max3A_99 = arith.maximumf %max3A_97, %slice3A_98 : vector<256x64xf32>
    %slice3A_100 = vector.extract_strided_slice %max3A_39 {offsets = [0, 1984], sizes = [256, 64], strides = [1, 1]} : vector<256x4096xf32> to vector<256x64xf32>
    %max3A_101 = arith.maximumf %max3A_99, %slice3A_100 : vector<256x64xf32>
    %slice3A_102 = vector.extract_strided_slice %max3A_39 {offsets = [0, 2048], sizes = [256, 64], strides = [1, 1]} : vector<256x4096xf32> to vector<256x64xf32>
    %max3A_103 = arith.maximumf %max3A_101, %slice3A_102 : vector<256x64xf32>
    %slice3A_104 = vector.extract_strided_slice %max3A_39 {offsets = [0, 2112], sizes = [256, 64], strides = [1, 1]} : vector<256x4096xf32> to vector<256x64xf32>
    %max3A_105 = arith.maximumf %max3A_103, %slice3A_104 : vector<256x64xf32>
    %slice3A_106 = vector.extract_strided_slice %max3A_39 {offsets = [0, 2176], sizes = [256, 64], strides = [1, 1]} : vector<256x4096xf32> to vector<256x64xf32>
    %max3A_107 = arith.maximumf %max3A_105, %slice3A_106 : vector<256x64xf32>
    %slice3A_108 = vector.extract_strided_slice %max3A_39 {offsets = [0, 2240], sizes = [256, 64], strides = [1, 1]} : vector<256x4096xf32> to vector<256x64xf32>
    %max3A_109 = arith.maximumf %max3A_107, %slice3A_108 : vector<256x64xf32>
    %slice3A_110 = vector.extract_strided_slice %max3A_39 {offsets = [0, 2304], sizes = [256, 64], strides = [1, 1]} : vector<256x4096xf32> to vector<256x64xf32>
    %max3A_111 = arith.maximumf %max3A_109, %slice3A_110 : vector<256x64xf32>
    %slice3A_112 = vector.extract_strided_slice %max3A_39 {offsets = [0, 2368], sizes = [256, 64], strides = [1, 1]} : vector<256x4096xf32> to vector<256x64xf32>
    %max3A_113 = arith.maximumf %max3A_111, %slice3A_112 : vector<256x64xf32>
    %slice3A_114 = vector.extract_strided_slice %max3A_39 {offsets = [0, 2432], sizes = [256, 64], strides = [1, 1]} : vector<256x4096xf32> to vector<256x64xf32>
    %max3A_115 = arith.maximumf %max3A_113, %slice3A_114 : vector<256x64xf32>
    %slice3A_116 = vector.extract_strided_slice %max3A_39 {offsets = [0, 2496], sizes = [256, 64], strides = [1, 1]} : vector<256x4096xf32> to vector<256x64xf32>
    %max3A_117 = arith.maximumf %max3A_115, %slice3A_116 : vector<256x64xf32>
    %slice3A_118 = vector.extract_strided_slice %max3A_39 {offsets = [0, 2560], sizes = [256, 64], strides = [1, 1]} : vector<256x4096xf32> to vector<256x64xf32>
    %max3A_119 = arith.maximumf %max3A_117, %slice3A_118 : vector<256x64xf32>
    %slice3A_120 = vector.extract_strided_slice %max3A_39 {offsets = [0, 2624], sizes = [256, 64], strides = [1, 1]} : vector<256x4096xf32> to vector<256x64xf32>
    %max3A_121 = arith.maximumf %max3A_119, %slice3A_120 : vector<256x64xf32>
    %slice3A_122 = vector.extract_strided_slice %max3A_39 {offsets = [0, 2688], sizes = [256, 64], strides = [1, 1]} : vector<256x4096xf32> to vector<256x64xf32>
    %max3A_123 = arith.maximumf %max3A_121, %slice3A_122 : vector<256x64xf32>
    %slice3A_124 = vector.extract_strided_slice %max3A_39 {offsets = [0, 2752], sizes = [256, 64], strides = [1, 1]} : vector<256x4096xf32> to vector<256x64xf32>
    %max3A_125 = arith.maximumf %max3A_123, %slice3A_124 : vector<256x64xf32>
    %slice3A_126 = vector.extract_strided_slice %max3A_39 {offsets = [0, 2816], sizes = [256, 64], strides = [1, 1]} : vector<256x4096xf32> to vector<256x64xf32>
    %max3A_127 = arith.maximumf %max3A_125, %slice3A_126 : vector<256x64xf32>
    %slice3A_128 = vector.extract_strided_slice %max3A_39 {offsets = [0, 2880], sizes = [256, 64], strides = [1, 1]} : vector<256x4096xf32> to vector<256x64xf32>
    %max3A_129 = arith.maximumf %max3A_127, %slice3A_128 : vector<256x64xf32>
    %slice3A_130 = vector.extract_strided_slice %max3A_39 {offsets = [0, 2944], sizes = [256, 64], strides = [1, 1]} : vector<256x4096xf32> to vector<256x64xf32>
    %max3A_131 = arith.maximumf %max3A_129, %slice3A_130 : vector<256x64xf32>
    %slice3A_132 = vector.extract_strided_slice %max3A_39 {offsets = [0, 3008], sizes = [256, 64], strides = [1, 1]} : vector<256x4096xf32> to vector<256x64xf32>
    %max3A_133 = arith.maximumf %max3A_131, %slice3A_132 : vector<256x64xf32>
    %slice3A_134 = vector.extract_strided_slice %max3A_39 {offsets = [0, 3072], sizes = [256, 64], strides = [1, 1]} : vector<256x4096xf32> to vector<256x64xf32>
    %max3A_135 = arith.maximumf %max3A_133, %slice3A_134 : vector<256x64xf32>
    %slice3A_136 = vector.extract_strided_slice %max3A_39 {offsets = [0, 3136], sizes = [256, 64], strides = [1, 1]} : vector<256x4096xf32> to vector<256x64xf32>
    %max3A_137 = arith.maximumf %max3A_135, %slice3A_136 : vector<256x64xf32>
    %slice3A_138 = vector.extract_strided_slice %max3A_39 {offsets = [0, 3200], sizes = [256, 64], strides = [1, 1]} : vector<256x4096xf32> to vector<256x64xf32>
    %max3A_139 = arith.maximumf %max3A_137, %slice3A_138 : vector<256x64xf32>
    %slice3A_140 = vector.extract_strided_slice %max3A_39 {offsets = [0, 3264], sizes = [256, 64], strides = [1, 1]} : vector<256x4096xf32> to vector<256x64xf32>
    %max3A_141 = arith.maximumf %max3A_139, %slice3A_140 : vector<256x64xf32>
    %slice3A_142 = vector.extract_strided_slice %max3A_39 {offsets = [0, 3328], sizes = [256, 64], strides = [1, 1]} : vector<256x4096xf32> to vector<256x64xf32>
    %max3A_143 = arith.maximumf %max3A_141, %slice3A_142 : vector<256x64xf32>
    %slice3A_144 = vector.extract_strided_slice %max3A_39 {offsets = [0, 3392], sizes = [256, 64], strides = [1, 1]} : vector<256x4096xf32> to vector<256x64xf32>
    %max3A_145 = arith.maximumf %max3A_143, %slice3A_144 : vector<256x64xf32>
    %slice3A_146 = vector.extract_strided_slice %max3A_39 {offsets = [0, 3456], sizes = [256, 64], strides = [1, 1]} : vector<256x4096xf32> to vector<256x64xf32>
    %max3A_147 = arith.maximumf %max3A_145, %slice3A_146 : vector<256x64xf32>
    %slice3A_148 = vector.extract_strided_slice %max3A_39 {offsets = [0, 3520], sizes = [256, 64], strides = [1, 1]} : vector<256x4096xf32> to vector<256x64xf32>
    %max3A_149 = arith.maximumf %max3A_147, %slice3A_148 : vector<256x64xf32>
    %slice3A_150 = vector.extract_strided_slice %max3A_39 {offsets = [0, 3584], sizes = [256, 64], strides = [1, 1]} : vector<256x4096xf32> to vector<256x64xf32>
    %max3A_151 = arith.maximumf %max3A_149, %slice3A_150 : vector<256x64xf32>
    %slice3A_152 = vector.extract_strided_slice %max3A_39 {offsets = [0, 3648], sizes = [256, 64], strides = [1, 1]} : vector<256x4096xf32> to vector<256x64xf32>
    %max3A_153 = arith.maximumf %max3A_151, %slice3A_152 : vector<256x64xf32>
    %slice3A_154 = vector.extract_strided_slice %max3A_39 {offsets = [0, 3712], sizes = [256, 64], strides = [1, 1]} : vector<256x4096xf32> to vector<256x64xf32>
    %max3A_155 = arith.maximumf %max3A_153, %slice3A_154 : vector<256x64xf32>
    %slice3A_156 = vector.extract_strided_slice %max3A_39 {offsets = [0, 3776], sizes = [256, 64], strides = [1, 1]} : vector<256x4096xf32> to vector<256x64xf32>
    %max3A_157 = arith.maximumf %max3A_155, %slice3A_156 : vector<256x64xf32>
    %slice3A_158 = vector.extract_strided_slice %max3A_39 {offsets = [0, 3840], sizes = [256, 64], strides = [1, 1]} : vector<256x4096xf32> to vector<256x64xf32>
    %max3A_159 = arith.maximumf %max3A_157, %slice3A_158 : vector<256x64xf32>
    %slice3A_160 = vector.extract_strided_slice %max3A_39 {offsets = [0, 3904], sizes = [256, 64], strides = [1, 1]} : vector<256x4096xf32> to vector<256x64xf32>
    %max3A_161 = arith.maximumf %max3A_159, %slice3A_160 : vector<256x64xf32>
    %slice3A_162 = vector.extract_strided_slice %max3A_39 {offsets = [0, 3968], sizes = [256, 64], strides = [1, 1]} : vector<256x4096xf32> to vector<256x64xf32>
    %max3A_163 = arith.maximumf %max3A_161, %slice3A_162 : vector<256x64xf32>
    %slice3A_164 = vector.extract_strided_slice %max3A_39 {offsets = [0, 4032], sizes = [256, 64], strides = [1, 1]} : vector<256x4096xf32> to vector<256x64xf32>
    %max3A_165 = arith.maximumf %max3A_163, %slice3A_164 : vector<256x64xf32>
    %swap3A = arith.constant 0 : index
    %swap3A_166 = arith.constant 0 : index
    %swap3A_167 = arith.constant 0 : index
    %swap3A_168 = vector.load %arg8[%swap3A, %swap3A_166, %swap3A_167] : memref<1x256x64xf32, #tpu.memory_space<vmem>>, vector<1x256x64xf32>
    %swap3A_169 = vector.shape_cast %swap3A_168 : vector<1x256x64xf32> to vector<256x64xf32>
    %swap3A_170 = vector.shape_cast %max3A_165 : vector<256x64xf32> to vector<1x256x64xf32>
    tpu.vector_store %arg8[%swap3A, %swap3A_166, %swap3A_167], %swap3A_170 {strides = array<i32>} : memref<1x256x64xf32, #tpu.memory_space<vmem>>, vector<1x256x64xf32>,
    return
  }
  func.func @transform_0(%arg0: i32) -> (i32, i32, i32) {
    %c0_i32 = arith.constant 0 : i32
    %c0_i32_0 = arith.constant 0 : i32
    %c0_i32_1 = arith.constant 0 : i32
    return %arg0, %c0_i32, %c0_i32_0 : i32, i32, i32
  }
  func.func @transform_1(%arg0: i32) -> (i32, i32) {
    %c0_i32 = arith.constant 0 : i32
    %c0_i32_0 = arith.constant 0 : i32
    %c0_i32_1 = arith.constant 0 : i32
    return %c0_i32, %c0_i32_0 : i32, i32
  }
  func.func @transform_2(%arg0: i32) -> (i32, i32) {
    %c0_i32 = arith.constant 0 : i32
    %c0_i32_0 = arith.constant 0 : i32
    %c0_i32_1 = arith.constant 0 : i32
    return %c0_i32, %c0_i32_0 : i32, i32
  }
  func.func @transform_3(%arg0: i32) -> (i32, i32) {
    %c0_i32 = arith.constant 0 : i32
    %c0_i32_0 = arith.constant 0 : i32
    %c0_i32_1 = arith.constant 0 : i32
    return %c0_i32, %c0_i32_0 : i32, i32
  }
  func.func @transform_4(%arg0: i32) -> (i32, i32) {
    %c0_i32 = arith.constant 0 : i32
    %c0_i32_0 = arith.constant 0 : i32
    %c0_i32_1 = arith.constant 0 : i32
    return %c0_i32, %c0_i32_0 : i32, i32
  }
  func.func @transform_5(%arg0: i32) -> (i32, i32) {
    %c0_i32 = arith.constant 0 : i32
    %c0_i32_0 = arith.constant 0 : i32
    %c0_i32_1 = arith.constant 0 : i32
    return %c0_i32, %c0_i32_0 : i32, i32
  }
  func.func @transform_6(%arg0: i32) -> (i32, i32) {
    %c0_i32 = arith.constant 0 : i32
    %c0_i32_0 = arith.constant 0 : i32
    %c0_i32_1 = arith.constant 0 : i32
    return %c0_i32, %c0_i32_0 : i32, i32
  }
  func.func @transform_7(%arg0: i32) -> (i32, i32, i32) {
    %c0_i32 = arith.constant 0 : i32
    %c0_i32_0 = arith.constant 0 : i32
    %c0_i32_1 = arith.constant 0 : i32
    return %arg0, %c0_i32, %c0_i32_0 : i32, i32, i32
  }
}

module attributes {stable_mosaic.version = 14 : i64} {
  func.func @_sa3_body(%arg0: memref<259x1024xf32, #tpu.memory_space<vmem>>, %arg1: memref<256x259xf32, #tpu.memory_space<vmem>>, %arg2: memref<256x1xf32, #tpu.memory_space<vmem>>, %arg3: memref<512x256xf32, #tpu.memory_space<vmem>>, %arg4: memref<512x1xf32, #tpu.memory_space<vmem>>, %arg5: memref<1024x512xf32, #tpu.memory_space<vmem>>, %arg6: memref<1024x1xf32, #tpu.memory_space<vmem>>, %arg7: memref<1024x1xf32, #tpu.memory_space<vmem>>) attributes {dimension_semantics = [], scalar_prefetch = 0 : i64, scratch_operands = 0 : i64, tpu.core_type = #tpu.core_type<tc>} {
    %get3A = arith.constant 0 : index
    %get3A_0 = arith.constant 0 : index
    %get3A_1 = vector.load %arg0[%get3A, %get3A_0] : memref<259x1024xf32, #tpu.memory_space<vmem>>, vector<259x1024xf32>
    %get3A_2 = arith.constant 0 : index
    %get3A_3 = arith.constant 0 : index
    %get3A_4 = vector.load %arg1[%get3A_2, %get3A_3] : memref<256x259xf32, #tpu.memory_space<vmem>>, vector<256x259xf32>
    %dot_general3A = arith.constant dense<0.000000e+00> : vector<256x1024xf32>
    %dot_general3A_5 = tpu.matmul %get3A_4, %get3A_1, %dot_general3A {dimension_numbers = #tpu.dot_dimension_numbers<[1], [0], [0], [1], [0, 0, 1, 1], [], []>, transpose_lhs_hint = false} : vector<256x259xf32>, vector<259x1024xf32>, vector<256x1024xf32> -> vector<256x1024xf32>
    %get3A_6 = arith.constant 0 : index
    %get3A_7 = arith.constant 0 : index
    %get3A_8 = vector.load %arg2[%get3A_6, %get3A_7] : memref<256x1xf32, #tpu.memory_space<vmem>>, vector<256x1xf32>
    %add3A = vector.broadcast %get3A_8 : vector<256x1xf32> to vector<256x1024xf32>
    %add3A_9 = arith.addf %dot_general3A_5, %add3A : vector<256x1024xf32>
    %max3A = arith.constant 0.000000e+00 : f32
    %max3A_10 = vector.broadcast %max3A : f32 to vector<256x1024xf32>
    %max3A_11 = arith.maximumf %add3A_9, %max3A_10 : vector<256x1024xf32>
    %get3A_12 = arith.constant 0 : index
    %get3A_13 = arith.constant 0 : index
    %get3A_14 = vector.load %arg3[%get3A_12, %get3A_13] : memref<512x256xf32, #tpu.memory_space<vmem>>, vector<512x256xf32>
    %dot_general3A_15 = arith.constant dense<0.000000e+00> : vector<512x1024xf32>
    %dot_general3A_16 = tpu.matmul %get3A_14, %max3A_11, %dot_general3A_15 {dimension_numbers = #tpu.dot_dimension_numbers<[1], [0], [0], [1], [0, 0, 1, 1], [], []>, transpose_lhs_hint = false} : vector<512x256xf32>, vector<256x1024xf32>, vector<512x1024xf32> -> vector<512x1024xf32>
    %get3A_17 = arith.constant 0 : index
    %get3A_18 = arith.constant 0 : index
    %get3A_19 = vector.load %arg4[%get3A_17, %get3A_18] : memref<512x1xf32, #tpu.memory_space<vmem>>, vector<512x1xf32>
    %add3A_20 = vector.broadcast %get3A_19 : vector<512x1xf32> to vector<512x1024xf32>
    %add3A_21 = arith.addf %dot_general3A_16, %add3A_20 : vector<512x1024xf32>
    %max3A_22 = arith.constant 0.000000e+00 : f32
    %max3A_23 = vector.broadcast %max3A_22 : f32 to vector<512x1024xf32>
    %max3A_24 = arith.maximumf %add3A_21, %max3A_23 : vector<512x1024xf32>
    %get3A_25 = arith.constant 0 : index
    %get3A_26 = arith.constant 0 : index
    %get3A_27 = vector.load %arg5[%get3A_25, %get3A_26] : memref<1024x512xf32, #tpu.memory_space<vmem>>, vector<1024x512xf32>
    %dot_general3A_28 = arith.constant dense<0.000000e+00> : vector<1024x1024xf32>
    %dot_general3A_29 = tpu.matmul %get3A_27, %max3A_24, %dot_general3A_28 {dimension_numbers = #tpu.dot_dimension_numbers<[1], [0], [0], [1], [0, 0, 1, 1], [], []>, transpose_lhs_hint = false} : vector<1024x512xf32>, vector<512x1024xf32>, vector<1024x1024xf32> -> vector<1024x1024xf32>
    %get3A_30 = arith.constant 0 : index
    %get3A_31 = arith.constant 0 : index
    %get3A_32 = vector.load %arg6[%get3A_30, %get3A_31] : memref<1024x1xf32, #tpu.memory_space<vmem>>, vector<1024x1xf32>
    %add3A_33 = vector.broadcast %get3A_32 : vector<1024x1xf32> to vector<1024x1024xf32>
    %add3A_34 = arith.addf %dot_general3A_29, %add3A_33 : vector<1024x1024xf32>
    %max3A_35 = arith.constant 0.000000e+00 : f32
    %max3A_36 = vector.broadcast %max3A_35 : f32 to vector<1024x1024xf32>
    %max3A_37 = arith.maximumf %add3A_34, %max3A_36 : vector<1024x1024xf32>
    %reduce_max3A = arith.constant dense<0xFF800000> : vector<1024xf32>
    %reduce_max3A_38 = vector.multi_reduction <maximumf>, %max3A_37, %reduce_max3A [1] : vector<1024x1024xf32> to vector<1024xf32>
    %broadcast_in_dim3A = vector.shape_cast %reduce_max3A_38 : vector<1024xf32> to vector<1024x1xf32>
    %swap3A = arith.constant 0 : index
    %swap3A_39 = arith.constant 0 : index
    %swap3A_40 = vector.load %arg7[%swap3A, %swap3A_39] : memref<1024x1xf32, #tpu.memory_space<vmem>>, vector<1024x1xf32>
    tpu.vector_store %arg7[%swap3A, %swap3A_39], %broadcast_in_dim3A {strides = array<i32>} : memref<1024x1xf32, #tpu.memory_space<vmem>>, vector<1024x1xf32>,
    return
  }
}

module attributes {stable_mosaic.version = 14 : i64} {
  func.func @_mlp_body(%arg0: i32, %arg1: memref<1280x1024xf32, #tpu.memory_space<vmem>>, %arg2: memref<256x1280xf32, #tpu.memory_space<vmem>>, %arg3: memref<256x1xf32, #tpu.memory_space<vmem>>, %arg4: memref<256x256xf32, #tpu.memory_space<vmem>>, %arg5: memref<256x1xf32, #tpu.memory_space<vmem>>, %arg6: memref<256x1024xf32, #tpu.memory_space<vmem>>) attributes {dimension_semantics = [#tpu.dimension_semantics<arbitrary>], iteration_bounds = array<i64: 1>, scalar_prefetch = 0 : i64, scratch_operands = 0 : i64, tpu.core_type = #tpu.core_type<tc>, window_params = [{transform_indices = @transform_0, window_bounds = array<i64: 1280, 1024>}, {pipeline_mode = #tpu.pipeline_mode<synchronous>, transform_indices = @transform_1, window_bounds = array<i64: 256, 1280>}, {pipeline_mode = #tpu.pipeline_mode<synchronous>, transform_indices = @transform_2, window_bounds = array<i64: 256, 1>}, {pipeline_mode = #tpu.pipeline_mode<synchronous>, transform_indices = @transform_3, window_bounds = array<i64: 256, 256>}, {pipeline_mode = #tpu.pipeline_mode<synchronous>, transform_indices = @transform_4, window_bounds = array<i64: 256, 1>}, {transform_indices = @transform_5, window_bounds = array<i64: 256, 1024>}]} {
    %get3A = arith.constant 0 : index
    %get3A_0 = arith.constant 0 : index
    %get3A_1 = vector.load %arg1[%get3A, %get3A_0] : memref<1280x1024xf32, #tpu.memory_space<vmem>>, vector<1280x1024xf32>
    %get3A_2 = arith.constant 0 : index
    %get3A_3 = arith.constant 0 : index
    %get3A_4 = vector.load %arg2[%get3A_2, %get3A_3] : memref<256x1280xf32, #tpu.memory_space<vmem>>, vector<256x1280xf32>
    %dot_general3A = arith.constant dense<0.000000e+00> : vector<256x1024xf32>
    %dot_general3A_5 = tpu.matmul %get3A_4, %get3A_1, %dot_general3A {dimension_numbers = #tpu.dot_dimension_numbers<[1], [0], [0], [1], [0, 0, 1, 1], [], []>, transpose_lhs_hint = false} : vector<256x1280xf32>, vector<1280x1024xf32>, vector<256x1024xf32> -> vector<256x1024xf32>
    %get3A_6 = arith.constant 0 : index
    %get3A_7 = arith.constant 0 : index
    %get3A_8 = vector.load %arg3[%get3A_6, %get3A_7] : memref<256x1xf32, #tpu.memory_space<vmem>>, vector<256x1xf32>
    %add3A = vector.broadcast %get3A_8 : vector<256x1xf32> to vector<256x1024xf32>
    %add3A_9 = arith.addf %dot_general3A_5, %add3A : vector<256x1024xf32>
    %max3A = arith.constant 0.000000e+00 : f32
    %max3A_10 = vector.broadcast %max3A : f32 to vector<256x1024xf32>
    %max3A_11 = arith.maximumf %add3A_9, %max3A_10 : vector<256x1024xf32>
    %get3A_12 = arith.constant 0 : index
    %get3A_13 = arith.constant 0 : index
    %get3A_14 = vector.load %arg4[%get3A_12, %get3A_13] : memref<256x256xf32, #tpu.memory_space<vmem>>, vector<256x256xf32>
    %dot_general3A_15 = arith.constant dense<0.000000e+00> : vector<256x1024xf32>
    %dot_general3A_16 = tpu.matmul %get3A_14, %max3A_11, %dot_general3A_15 {dimension_numbers = #tpu.dot_dimension_numbers<[1], [0], [0], [1], [0, 0, 1, 1], [], []>, transpose_lhs_hint = false} : vector<256x256xf32>, vector<256x1024xf32>, vector<256x1024xf32> -> vector<256x1024xf32>
    %get3A_17 = arith.constant 0 : index
    %get3A_18 = arith.constant 0 : index
    %get3A_19 = vector.load %arg5[%get3A_17, %get3A_18] : memref<256x1xf32, #tpu.memory_space<vmem>>, vector<256x1xf32>
    %add3A_20 = vector.broadcast %get3A_19 : vector<256x1xf32> to vector<256x1024xf32>
    %add3A_21 = arith.addf %dot_general3A_16, %add3A_20 : vector<256x1024xf32>
    %max3A_22 = arith.constant 0.000000e+00 : f32
    %max3A_23 = vector.broadcast %max3A_22 : f32 to vector<256x1024xf32>
    %max3A_24 = arith.maximumf %add3A_21, %max3A_23 : vector<256x1024xf32>
    %swap3A = arith.constant 0 : index
    %swap3A_25 = arith.constant 0 : index
    %swap3A_26 = vector.load %arg6[%swap3A, %swap3A_25] : memref<256x1024xf32, #tpu.memory_space<vmem>>, vector<256x1024xf32>
    tpu.vector_store %arg6[%swap3A, %swap3A_25], %max3A_24 {strides = array<i32>} : memref<256x1024xf32, #tpu.memory_space<vmem>>, vector<256x1024xf32>,
    return
  }
  func.func @transform_0(%arg0: i32) -> (i32, i32) {
    %c0_i32 = arith.constant 0 : i32
    %c0_i32_0 = arith.constant 0 : i32
    return %c0_i32, %arg0 : i32, i32
  }
  func.func @transform_1(%arg0: i32) -> (i32, i32) {
    %c0_i32 = arith.constant 0 : i32
    %c0_i32_0 = arith.constant 0 : i32
    %c0_i32_1 = arith.constant 0 : i32
    return %c0_i32, %c0_i32_0 : i32, i32
  }
  func.func @transform_2(%arg0: i32) -> (i32, i32) {
    %c0_i32 = arith.constant 0 : i32
    %c0_i32_0 = arith.constant 0 : i32
    %c0_i32_1 = arith.constant 0 : i32
    return %c0_i32, %c0_i32_0 : i32, i32
  }
  func.func @transform_3(%arg0: i32) -> (i32, i32) {
    %c0_i32 = arith.constant 0 : i32
    %c0_i32_0 = arith.constant 0 : i32
    %c0_i32_1 = arith.constant 0 : i32
    return %c0_i32, %c0_i32_0 : i32, i32
  }
  func.func @transform_4(%arg0: i32) -> (i32, i32) {
    %c0_i32 = arith.constant 0 : i32
    %c0_i32_0 = arith.constant 0 : i32
    %c0_i32_1 = arith.constant 0 : i32
    return %c0_i32, %c0_i32_0 : i32, i32
  }
  func.func @transform_5(%arg0: i32) -> (i32, i32) {
    %c0_i32 = arith.constant 0 : i32
    %c0_i32_0 = arith.constant 0 : i32
    return %c0_i32, %arg0 : i32, i32
  }
}

module attributes {stable_mosaic.version = 14 : i64} {
  func.func @_interp_body(%arg0: i32, %arg1: memref<64x3xf32, #tpu.memory_space<vmem>>, %arg2: memref<3x1024xf32, #tpu.memory_space<vmem>>, %arg3: memref<1024x256xf32, #tpu.memory_space<vmem>>, %arg4: memref<64x256xf32, #tpu.memory_space<vmem>>) attributes {dimension_semantics = [#tpu.dimension_semantics<arbitrary>], iteration_bounds = array<i64: 64>, scalar_prefetch = 0 : i64, scratch_operands = 0 : i64, tpu.core_type = #tpu.core_type<tc>, window_params = [{transform_indices = @transform_0, window_bounds = array<i64: 64, 3>}, {pipeline_mode = #tpu.pipeline_mode<synchronous>, transform_indices = @transform_1, window_bounds = array<i64: 3, 1024>}, {pipeline_mode = #tpu.pipeline_mode<synchronous>, transform_indices = @transform_2, window_bounds = array<i64: 1024, 256>}, {transform_indices = @transform_3, window_bounds = array<i64: 64, 256>}]} {
    %get3A = arith.constant 0 : index
    %get3A_0 = arith.constant 0 : index
    %get3A_1 = vector.load %arg1[%get3A, %get3A_0] : memref<64x3xf32, #tpu.memory_space<vmem>>, vector<64x3xf32>
    %get3A_2 = arith.constant 0 : index
    %get3A_3 = arith.constant 0 : index
    %get3A_4 = vector.load %arg2[%get3A_2, %get3A_3] : memref<3x1024xf32, #tpu.memory_space<vmem>>, vector<3x1024xf32>
    %get3A_5 = arith.constant 0 : index
    %get3A_6 = arith.constant 0 : index
    %get3A_7 = vector.load %arg3[%get3A_5, %get3A_6] : memref<1024x256xf32, #tpu.memory_space<vmem>>, vector<1024x256xf32>
    %dot_general3A = arith.constant dense<0.000000e+00> : vector<64x1024xf32>
    %dot_general3A_8 = tpu.matmul %get3A_1, %get3A_4, %dot_general3A {dimension_numbers = #tpu.dot_dimension_numbers<[1], [0], [0], [1], [0, 0, 1, 1], [], []>, transpose_lhs_hint = false} : vector<64x3xf32>, vector<3x1024xf32>, vector<64x1024xf32> -> vector<64x1024xf32>
    %mul3A = arith.constant -2.000000e+00 : f32
    %mul3A_9 = vector.broadcast %mul3A : f32 to vector<64x1024xf32>
    %mul3A_10 = arith.mulf %mul3A_9, %dot_general3A_8 : vector<64x1024xf32>
    %mul3A_11 = arith.mulf %get3A_1, %get3A_1 : vector<64x3xf32>
    %reduce_sum3A = arith.constant dense<0.000000e+00> : vector<64xf32>
    %reduce_sum3A_12 = vector.multi_reduction <add>, %mul3A_11, %reduce_sum3A [1] : vector<64x3xf32> to vector<64xf32>
    %broadcast_in_dim3A = vector.shape_cast %reduce_sum3A_12 : vector<64xf32> to vector<64x1xf32>
    %add3A = vector.broadcast %broadcast_in_dim3A : vector<64x1xf32> to vector<64x1024xf32>
    %add3A_13 = arith.addf %mul3A_10, %add3A : vector<64x1024xf32>
    %mul3A_14 = arith.mulf %get3A_4, %get3A_4 : vector<3x1024xf32>
    %reduce_sum3A_15 = arith.constant dense<0.000000e+00> : vector<1024xf32>
    %reduce_sum3A_16 = vector.multi_reduction <add>, %mul3A_14, %reduce_sum3A_15 [0] : vector<3x1024xf32> to vector<1024xf32>
    %broadcast_in_dim3A_17 = vector.shape_cast %reduce_sum3A_16 : vector<1024xf32> to vector<1x1024xf32>
    %add3A_18 = vector.broadcast %broadcast_in_dim3A_17 : vector<1x1024xf32> to vector<64x1024xf32>
    %add3A_19 = arith.addf %add3A_13, %add3A_18 : vector<64x1024xf32>
    %iota3A = tpu.iota {dimensions = array<i32: 1>} : vector<64x1024xi32>
    %reduce_min3A = arith.constant dense<0x7F800000> : vector<64xf32>
    %reduce_min3A_20 = vector.multi_reduction <minimumf>, %add3A_19, %reduce_min3A [1] : vector<64x1024xf32> to vector<64xf32>
    %broadcast_in_dim3A_21 = vector.shape_cast %reduce_min3A_20 : vector<64xf32> to vector<64x1xf32>
    %eq3A = vector.broadcast %broadcast_in_dim3A_21 : vector<64x1xf32> to vector<64x1024xf32>
    %eq3A_22 = arith.cmpf oeq, %add3A_19, %eq3A : vector<64x1024xf32>
    %jit3A = arith.constant 1024 : i32
    %broadcast_in_dim3A_23 = vector.broadcast %jit3A : i32 to vector<64x1024xi32>
    %select_n3A = arith.select %eq3A_22, %iota3A, %broadcast_in_dim3A_23 : vector<64x1024xi1>, vector<64x1024xi32>
    %reduce_min3A_24 = arith.constant dense<2147483647> : vector<64xi32>
    %reduce_min3A_25 = vector.multi_reduction <minsi>, %select_n3A, %reduce_min3A_24 [1] : vector<64x1024xi32> to vector<64xi32>
    %broadcast_in_dim3A_26 = vector.shape_cast %reduce_min3A_25 : vector<64xi32> to vector<64x1xi32>
    %eq3A_27 = vector.broadcast %broadcast_in_dim3A_26 : vector<64x1xi32> to vector<64x1024xi32>
    %eq3A_28 = arith.cmpi eq, %iota3A, %eq3A_27 : vector<64x1024xi32>
    %jit3A_29 = arith.constant 1.000000e+30 : f32
    %broadcast_in_dim3A_30 = vector.broadcast %jit3A_29 : f32 to vector<64x1024xf32>
    %select_n3A_31 = arith.select %eq3A_28, %broadcast_in_dim3A_30, %add3A_19 : vector<64x1024xi1>, vector<64x1024xf32>
    %reduce_min3A_32 = arith.constant dense<0x7F800000> : vector<64xf32>
    %reduce_min3A_33 = vector.multi_reduction <minimumf>, %select_n3A_31, %reduce_min3A_32 [1] : vector<64x1024xf32> to vector<64xf32>
    %broadcast_in_dim3A_34 = vector.shape_cast %reduce_min3A_33 : vector<64xf32> to vector<64x1xf32>
    %eq3A_35 = vector.broadcast %broadcast_in_dim3A_34 : vector<64x1xf32> to vector<64x1024xf32>
    %eq3A_36 = arith.cmpf oeq, %select_n3A_31, %eq3A_35 : vector<64x1024xf32>
    %jit3A_37 = arith.constant 1024 : i32
    %broadcast_in_dim3A_38 = vector.broadcast %jit3A_37 : i32 to vector<64x1024xi32>
    %select_n3A_39 = arith.select %eq3A_36, %iota3A, %broadcast_in_dim3A_38 : vector<64x1024xi1>, vector<64x1024xi32>
    %reduce_min3A_40 = arith.constant dense<2147483647> : vector<64xi32>
    %reduce_min3A_41 = vector.multi_reduction <minsi>, %select_n3A_39, %reduce_min3A_40 [1] : vector<64x1024xi32> to vector<64xi32>
    %broadcast_in_dim3A_42 = vector.shape_cast %reduce_min3A_41 : vector<64xi32> to vector<64x1xi32>
    %eq3A_43 = vector.broadcast %broadcast_in_dim3A_42 : vector<64x1xi32> to vector<64x1024xi32>
    %eq3A_44 = arith.cmpi eq, %iota3A, %eq3A_43 : vector<64x1024xi32>
    %jit3A_45 = arith.constant 1.000000e+30 : f32
    %broadcast_in_dim3A_46 = vector.broadcast %jit3A_45 : f32 to vector<64x1024xf32>
    %select_n3A_47 = arith.select %eq3A_44, %broadcast_in_dim3A_46, %select_n3A_31 : vector<64x1024xi1>, vector<64x1024xf32>
    %reduce_min3A_48 = arith.constant dense<0x7F800000> : vector<64xf32>
    %reduce_min3A_49 = vector.multi_reduction <minimumf>, %select_n3A_47, %reduce_min3A_48 [1] : vector<64x1024xf32> to vector<64xf32>
    %broadcast_in_dim3A_50 = vector.shape_cast %reduce_min3A_49 : vector<64xf32> to vector<64x1xf32>
    %eq3A_51 = vector.broadcast %broadcast_in_dim3A_50 : vector<64x1xf32> to vector<64x1024xf32>
    %eq3A_52 = arith.cmpf oeq, %select_n3A_47, %eq3A_51 : vector<64x1024xf32>
    %jit3A_53 = arith.constant 1024 : i32
    %broadcast_in_dim3A_54 = vector.broadcast %jit3A_53 : i32 to vector<64x1024xi32>
    %select_n3A_55 = arith.select %eq3A_52, %iota3A, %broadcast_in_dim3A_54 : vector<64x1024xi1>, vector<64x1024xi32>
    %reduce_min3A_56 = arith.constant dense<2147483647> : vector<64xi32>
    %reduce_min3A_57 = vector.multi_reduction <minsi>, %select_n3A_55, %reduce_min3A_56 [1] : vector<64x1024xi32> to vector<64xi32>
    %broadcast_in_dim3A_58 = vector.shape_cast %reduce_min3A_57 : vector<64xi32> to vector<64x1xi32>
    %add3A_59 = arith.constant 9.99999993E-9 : f32
    %add3A_60 = vector.broadcast %add3A_59 : f32 to vector<64x1xf32>
    %add3A_61 = arith.addf %broadcast_in_dim3A_21, %add3A_60 : vector<64x1xf32>
    %div3A = arith.constant 1.000000e+00 : f32
    %div3A_62 = vector.broadcast %div3A : f32 to vector<64x1xf32>
    %div3A_63 = arith.divf %div3A_62, %add3A_61 : vector<64x1xf32>
    %add3A_64 = arith.constant 9.99999993E-9 : f32
    %add3A_65 = vector.broadcast %add3A_64 : f32 to vector<64x1xf32>
    %add3A_66 = arith.addf %broadcast_in_dim3A_34, %add3A_65 : vector<64x1xf32>
    %div3A_67 = arith.constant 1.000000e+00 : f32
    %div3A_68 = vector.broadcast %div3A_67 : f32 to vector<64x1xf32>
    %div3A_69 = arith.divf %div3A_68, %add3A_66 : vector<64x1xf32>
    %add3A_70 = arith.constant 9.99999993E-9 : f32
    %add3A_71 = vector.broadcast %add3A_70 : f32 to vector<64x1xf32>
    %add3A_72 = arith.addf %broadcast_in_dim3A_50, %add3A_71 : vector<64x1xf32>
    %div3A_73 = arith.constant 1.000000e+00 : f32
    %div3A_74 = vector.broadcast %div3A_73 : f32 to vector<64x1xf32>
    %div3A_75 = arith.divf %div3A_74, %add3A_72 : vector<64x1xf32>
    %add3A_76 = arith.addf %div3A_63, %div3A_69 : vector<64x1xf32>
    %add3A_77 = arith.addf %add3A_76, %div3A_75 : vector<64x1xf32>
    %broadcast_in_dim3A_78 = arith.constant 0.000000e+00 : f32
    %broadcast_in_dim3A_79 = vector.broadcast %broadcast_in_dim3A_78 : f32 to vector<64x1024xf32>
    %eq3A_80 = vector.broadcast %broadcast_in_dim3A_26 : vector<64x1xi32> to vector<64x1024xi32>
    %eq3A_81 = arith.cmpi eq, %iota3A, %eq3A_80 : vector<64x1024xi32>
    %div3A_82 = arith.divf %div3A_63, %add3A_77 : vector<64x1xf32>
    %jit3A_83 = arith.constant 0.000000e+00 : f32
    %broadcast_in_dim3A_84 = vector.shape_cast %div3A_82 : vector<64x1xf32> to vector<64x1xf32>
    %broadcast_in_dim3A_85 = vector.broadcast %broadcast_in_dim3A_84 : vector<64x1xf32> to vector<64x1024xf32>
    %broadcast_in_dim3A_86 = vector.broadcast %jit3A_83 : f32 to vector<64x1024xf32>
    %select_n3A_87 = arith.select %eq3A_81, %broadcast_in_dim3A_85, %broadcast_in_dim3A_86 : vector<64x1024xi1>, vector<64x1024xf32>
    %add3A_88 = arith.addf %broadcast_in_dim3A_79, %select_n3A_87 : vector<64x1024xf32>
    %eq3A_89 = vector.broadcast %broadcast_in_dim3A_42 : vector<64x1xi32> to vector<64x1024xi32>
    %eq3A_90 = arith.cmpi eq, %iota3A, %eq3A_89 : vector<64x1024xi32>
    %div3A_91 = arith.divf %div3A_69, %add3A_77 : vector<64x1xf32>
    %jit3A_92 = arith.constant 0.000000e+00 : f32
    %broadcast_in_dim3A_93 = vector.shape_cast %div3A_91 : vector<64x1xf32> to vector<64x1xf32>
    %broadcast_in_dim3A_94 = vector.broadcast %broadcast_in_dim3A_93 : vector<64x1xf32> to vector<64x1024xf32>
    %broadcast_in_dim3A_95 = vector.broadcast %jit3A_92 : f32 to vector<64x1024xf32>
    %select_n3A_96 = arith.select %eq3A_90, %broadcast_in_dim3A_94, %broadcast_in_dim3A_95 : vector<64x1024xi1>, vector<64x1024xf32>
    %add3A_97 = arith.addf %add3A_88, %select_n3A_96 : vector<64x1024xf32>
    %eq3A_98 = vector.broadcast %broadcast_in_dim3A_58 : vector<64x1xi32> to vector<64x1024xi32>
    %eq3A_99 = arith.cmpi eq, %iota3A, %eq3A_98 : vector<64x1024xi32>
    %div3A_100 = arith.divf %div3A_75, %add3A_77 : vector<64x1xf32>
    %jit3A_101 = arith.constant 0.000000e+00 : f32
    %broadcast_in_dim3A_102 = vector.shape_cast %div3A_100 : vector<64x1xf32> to vector<64x1xf32>
    %broadcast_in_dim3A_103 = vector.broadcast %broadcast_in_dim3A_102 : vector<64x1xf32> to vector<64x1024xf32>
    %broadcast_in_dim3A_104 = vector.broadcast %jit3A_101 : f32 to vector<64x1024xf32>
    %select_n3A_105 = arith.select %eq3A_99, %broadcast_in_dim3A_103, %broadcast_in_dim3A_104 : vector<64x1024xi1>, vector<64x1024xf32>
    %add3A_106 = arith.addf %add3A_97, %select_n3A_105 : vector<64x1024xf32>
    %dot_general3A_107 = arith.constant dense<0.000000e+00> : vector<64x256xf32>
    %dot_general3A_108 = tpu.matmul %add3A_106, %get3A_7, %dot_general3A_107 {dimension_numbers = #tpu.dot_dimension_numbers<[1], [0], [0], [1], [0, 0, 1, 1], [], []>, transpose_lhs_hint = false} : vector<64x1024xf32>, vector<1024x256xf32>, vector<64x256xf32> -> vector<64x256xf32>
    %swap3A = arith.constant 0 : index
    %swap3A_109 = arith.constant 0 : index
    %swap3A_110 = vector.load %arg4[%swap3A, %swap3A_109] : memref<64x256xf32, #tpu.memory_space<vmem>>, vector<64x256xf32>
    tpu.vector_store %arg4[%swap3A, %swap3A_109], %dot_general3A_108 {strides = array<i32>} : memref<64x256xf32, #tpu.memory_space<vmem>>, vector<64x256xf32>,
    return
  }
  func.func @transform_0(%arg0: i32) -> (i32, i32) {
    %c0_i32 = arith.constant 0 : i32
    %c0_i32_0 = arith.constant 0 : i32
    return %arg0, %c0_i32 : i32, i32
  }
  func.func @transform_1(%arg0: i32) -> (i32, i32) {
    %c0_i32 = arith.constant 0 : i32
    %c0_i32_0 = arith.constant 0 : i32
    %c0_i32_1 = arith.constant 0 : i32
    return %c0_i32, %c0_i32_0 : i32, i32
  }
  func.func @transform_2(%arg0: i32) -> (i32, i32) {
    %c0_i32 = arith.constant 0 : i32
    %c0_i32_0 = arith.constant 0 : i32
    %c0_i32_1 = arith.constant 0 : i32
    return %c0_i32, %c0_i32_0 : i32, i32
  }
  func.func @transform_3(%arg0: i32) -> (i32, i32) {
    %c0_i32 = arith.constant 0 : i32
    %c0_i32_0 = arith.constant 0 : i32
    return %arg0, %c0_i32 : i32, i32
  }
}

module attributes {stable_mosaic.version = 14 : i64} {
  func.func @_mlp_body(%arg0: i32, %arg1: memref<384x2048xf32, #tpu.memory_space<vmem>>, %arg2: memref<256x384xf32, #tpu.memory_space<vmem>>, %arg3: memref<256x1xf32, #tpu.memory_space<vmem>>, %arg4: memref<128x256xf32, #tpu.memory_space<vmem>>, %arg5: memref<128x1xf32, #tpu.memory_space<vmem>>, %arg6: memref<128x2048xf32, #tpu.memory_space<vmem>>) attributes {dimension_semantics = [#tpu.dimension_semantics<arbitrary>], iteration_bounds = array<i64: 2>, scalar_prefetch = 0 : i64, scratch_operands = 0 : i64, tpu.core_type = #tpu.core_type<tc>, window_params = [{transform_indices = @transform_0, window_bounds = array<i64: 384, 2048>}, {pipeline_mode = #tpu.pipeline_mode<synchronous>, transform_indices = @transform_1, window_bounds = array<i64: 256, 384>}, {pipeline_mode = #tpu.pipeline_mode<synchronous>, transform_indices = @transform_2, window_bounds = array<i64: 256, 1>}, {pipeline_mode = #tpu.pipeline_mode<synchronous>, transform_indices = @transform_3, window_bounds = array<i64: 128, 256>}, {pipeline_mode = #tpu.pipeline_mode<synchronous>, transform_indices = @transform_4, window_bounds = array<i64: 128, 1>}, {transform_indices = @transform_5, window_bounds = array<i64: 128, 2048>}]} {
    %get3A = arith.constant 0 : index
    %get3A_0 = arith.constant 0 : index
    %get3A_1 = vector.load %arg1[%get3A, %get3A_0] : memref<384x2048xf32, #tpu.memory_space<vmem>>, vector<384x2048xf32>
    %get3A_2 = arith.constant 0 : index
    %get3A_3 = arith.constant 0 : index
    %get3A_4 = vector.load %arg2[%get3A_2, %get3A_3] : memref<256x384xf32, #tpu.memory_space<vmem>>, vector<256x384xf32>
    %dot_general3A = arith.constant dense<0.000000e+00> : vector<256x2048xf32>
    %dot_general3A_5 = tpu.matmul %get3A_4, %get3A_1, %dot_general3A {dimension_numbers = #tpu.dot_dimension_numbers<[1], [0], [0], [1], [0, 0, 1, 1], [], []>, transpose_lhs_hint = false} : vector<256x384xf32>, vector<384x2048xf32>, vector<256x2048xf32> -> vector<256x2048xf32>
    %get3A_6 = arith.constant 0 : index
    %get3A_7 = arith.constant 0 : index
    %get3A_8 = vector.load %arg3[%get3A_6, %get3A_7] : memref<256x1xf32, #tpu.memory_space<vmem>>, vector<256x1xf32>
    %add3A = vector.broadcast %get3A_8 : vector<256x1xf32> to vector<256x2048xf32>
    %add3A_9 = arith.addf %dot_general3A_5, %add3A : vector<256x2048xf32>
    %max3A = arith.constant 0.000000e+00 : f32
    %max3A_10 = vector.broadcast %max3A : f32 to vector<256x2048xf32>
    %max3A_11 = arith.maximumf %add3A_9, %max3A_10 : vector<256x2048xf32>
    %get3A_12 = arith.constant 0 : index
    %get3A_13 = arith.constant 0 : index
    %get3A_14 = vector.load %arg4[%get3A_12, %get3A_13] : memref<128x256xf32, #tpu.memory_space<vmem>>, vector<128x256xf32>
    %dot_general3A_15 = arith.constant dense<0.000000e+00> : vector<128x2048xf32>
    %dot_general3A_16 = tpu.matmul %get3A_14, %max3A_11, %dot_general3A_15 {dimension_numbers = #tpu.dot_dimension_numbers<[1], [0], [0], [1], [0, 0, 1, 1], [], []>, transpose_lhs_hint = false} : vector<128x256xf32>, vector<256x2048xf32>, vector<128x2048xf32> -> vector<128x2048xf32>
    %get3A_17 = arith.constant 0 : index
    %get3A_18 = arith.constant 0 : index
    %get3A_19 = vector.load %arg5[%get3A_17, %get3A_18] : memref<128x1xf32, #tpu.memory_space<vmem>>, vector<128x1xf32>
    %add3A_20 = vector.broadcast %get3A_19 : vector<128x1xf32> to vector<128x2048xf32>
    %add3A_21 = arith.addf %dot_general3A_16, %add3A_20 : vector<128x2048xf32>
    %max3A_22 = arith.constant 0.000000e+00 : f32
    %max3A_23 = vector.broadcast %max3A_22 : f32 to vector<128x2048xf32>
    %max3A_24 = arith.maximumf %add3A_21, %max3A_23 : vector<128x2048xf32>
    %swap3A = arith.constant 0 : index
    %swap3A_25 = arith.constant 0 : index
    %swap3A_26 = vector.load %arg6[%swap3A, %swap3A_25] : memref<128x2048xf32, #tpu.memory_space<vmem>>, vector<128x2048xf32>
    tpu.vector_store %arg6[%swap3A, %swap3A_25], %max3A_24 {strides = array<i32>} : memref<128x2048xf32, #tpu.memory_space<vmem>>, vector<128x2048xf32>,
    return
  }
  func.func @transform_0(%arg0: i32) -> (i32, i32) {
    %c0_i32 = arith.constant 0 : i32
    %c0_i32_0 = arith.constant 0 : i32
    return %c0_i32, %arg0 : i32, i32
  }
  func.func @transform_1(%arg0: i32) -> (i32, i32) {
    %c0_i32 = arith.constant 0 : i32
    %c0_i32_0 = arith.constant 0 : i32
    %c0_i32_1 = arith.constant 0 : i32
    return %c0_i32, %c0_i32_0 : i32, i32
  }
  func.func @transform_2(%arg0: i32) -> (i32, i32) {
    %c0_i32 = arith.constant 0 : i32
    %c0_i32_0 = arith.constant 0 : i32
    %c0_i32_1 = arith.constant 0 : i32
    return %c0_i32, %c0_i32_0 : i32, i32
  }
  func.func @transform_3(%arg0: i32) -> (i32, i32) {
    %c0_i32 = arith.constant 0 : i32
    %c0_i32_0 = arith.constant 0 : i32
    %c0_i32_1 = arith.constant 0 : i32
    return %c0_i32, %c0_i32_0 : i32, i32
  }
  func.func @transform_4(%arg0: i32) -> (i32, i32) {
    %c0_i32 = arith.constant 0 : i32
    %c0_i32_0 = arith.constant 0 : i32
    %c0_i32_1 = arith.constant 0 : i32
    return %c0_i32, %c0_i32_0 : i32, i32
  }
  func.func @transform_5(%arg0: i32) -> (i32, i32) {
    %c0_i32 = arith.constant 0 : i32
    %c0_i32_0 = arith.constant 0 : i32
    return %c0_i32, %arg0 : i32, i32
  }
}

module attributes {stable_mosaic.version = 14 : i64} {
  func.func @_interp_body(%arg0: i32, %arg1: memref<64x3xf32, #tpu.memory_space<vmem>>, %arg2: memref<3x4096xf32, #tpu.memory_space<vmem>>, %arg3: memref<4096x128xf32, #tpu.memory_space<vmem>>, %arg4: memref<64x128xf32, #tpu.memory_space<vmem>>) attributes {dimension_semantics = [#tpu.dimension_semantics<arbitrary>], iteration_bounds = array<i64: 128>, scalar_prefetch = 0 : i64, scratch_operands = 0 : i64, tpu.core_type = #tpu.core_type<tc>, window_params = [{transform_indices = @transform_0, window_bounds = array<i64: 64, 3>}, {pipeline_mode = #tpu.pipeline_mode<synchronous>, transform_indices = @transform_1, window_bounds = array<i64: 3, 4096>}, {pipeline_mode = #tpu.pipeline_mode<synchronous>, transform_indices = @transform_2, window_bounds = array<i64: 4096, 128>}, {transform_indices = @transform_3, window_bounds = array<i64: 64, 128>}]} {
    %get3A = arith.constant 0 : index
    %get3A_0 = arith.constant 0 : index
    %get3A_1 = vector.load %arg1[%get3A, %get3A_0] : memref<64x3xf32, #tpu.memory_space<vmem>>, vector<64x3xf32>
    %get3A_2 = arith.constant 0 : index
    %get3A_3 = arith.constant 0 : index
    %get3A_4 = vector.load %arg2[%get3A_2, %get3A_3] : memref<3x4096xf32, #tpu.memory_space<vmem>>, vector<3x4096xf32>
    %get3A_5 = arith.constant 0 : index
    %get3A_6 = arith.constant 0 : index
    %get3A_7 = vector.load %arg3[%get3A_5, %get3A_6] : memref<4096x128xf32, #tpu.memory_space<vmem>>, vector<4096x128xf32>
    %dot_general3A = arith.constant dense<0.000000e+00> : vector<64x4096xf32>
    %dot_general3A_8 = tpu.matmul %get3A_1, %get3A_4, %dot_general3A {dimension_numbers = #tpu.dot_dimension_numbers<[1], [0], [0], [1], [0, 0, 1, 1], [], []>, transpose_lhs_hint = false} : vector<64x3xf32>, vector<3x4096xf32>, vector<64x4096xf32> -> vector<64x4096xf32>
    %mul3A = arith.constant -2.000000e+00 : f32
    %mul3A_9 = vector.broadcast %mul3A : f32 to vector<64x4096xf32>
    %mul3A_10 = arith.mulf %mul3A_9, %dot_general3A_8 : vector<64x4096xf32>
    %mul3A_11 = arith.mulf %get3A_1, %get3A_1 : vector<64x3xf32>
    %reduce_sum3A = arith.constant dense<0.000000e+00> : vector<64xf32>
    %reduce_sum3A_12 = vector.multi_reduction <add>, %mul3A_11, %reduce_sum3A [1] : vector<64x3xf32> to vector<64xf32>
    %broadcast_in_dim3A = vector.shape_cast %reduce_sum3A_12 : vector<64xf32> to vector<64x1xf32>
    %add3A = vector.broadcast %broadcast_in_dim3A : vector<64x1xf32> to vector<64x4096xf32>
    %add3A_13 = arith.addf %mul3A_10, %add3A : vector<64x4096xf32>
    %mul3A_14 = arith.mulf %get3A_4, %get3A_4 : vector<3x4096xf32>
    %reduce_sum3A_15 = arith.constant dense<0.000000e+00> : vector<4096xf32>
    %reduce_sum3A_16 = vector.multi_reduction <add>, %mul3A_14, %reduce_sum3A_15 [0] : vector<3x4096xf32> to vector<4096xf32>
    %broadcast_in_dim3A_17 = vector.shape_cast %reduce_sum3A_16 : vector<4096xf32> to vector<1x4096xf32>
    %add3A_18 = vector.broadcast %broadcast_in_dim3A_17 : vector<1x4096xf32> to vector<64x4096xf32>
    %add3A_19 = arith.addf %add3A_13, %add3A_18 : vector<64x4096xf32>
    %iota3A = tpu.iota {dimensions = array<i32: 1>} : vector<64x4096xi32>
    %reduce_min3A = arith.constant dense<0x7F800000> : vector<64xf32>
    %reduce_min3A_20 = vector.multi_reduction <minimumf>, %add3A_19, %reduce_min3A [1] : vector<64x4096xf32> to vector<64xf32>
    %broadcast_in_dim3A_21 = vector.shape_cast %reduce_min3A_20 : vector<64xf32> to vector<64x1xf32>
    %eq3A = vector.broadcast %broadcast_in_dim3A_21 : vector<64x1xf32> to vector<64x4096xf32>
    %eq3A_22 = arith.cmpf oeq, %add3A_19, %eq3A : vector<64x4096xf32>
    %jit3A = arith.constant 4096 : i32
    %broadcast_in_dim3A_23 = vector.broadcast %jit3A : i32 to vector<64x4096xi32>
    %select_n3A = arith.select %eq3A_22, %iota3A, %broadcast_in_dim3A_23 : vector<64x4096xi1>, vector<64x4096xi32>
    %reduce_min3A_24 = arith.constant dense<2147483647> : vector<64xi32>
    %reduce_min3A_25 = vector.multi_reduction <minsi>, %select_n3A, %reduce_min3A_24 [1] : vector<64x4096xi32> to vector<64xi32>
    %broadcast_in_dim3A_26 = vector.shape_cast %reduce_min3A_25 : vector<64xi32> to vector<64x1xi32>
    %eq3A_27 = vector.broadcast %broadcast_in_dim3A_26 : vector<64x1xi32> to vector<64x4096xi32>
    %eq3A_28 = arith.cmpi eq, %iota3A, %eq3A_27 : vector<64x4096xi32>
    %jit3A_29 = arith.constant 1.000000e+30 : f32
    %broadcast_in_dim3A_30 = vector.broadcast %jit3A_29 : f32 to vector<64x4096xf32>
    %select_n3A_31 = arith.select %eq3A_28, %broadcast_in_dim3A_30, %add3A_19 : vector<64x4096xi1>, vector<64x4096xf32>
    %reduce_min3A_32 = arith.constant dense<0x7F800000> : vector<64xf32>
    %reduce_min3A_33 = vector.multi_reduction <minimumf>, %select_n3A_31, %reduce_min3A_32 [1] : vector<64x4096xf32> to vector<64xf32>
    %broadcast_in_dim3A_34 = vector.shape_cast %reduce_min3A_33 : vector<64xf32> to vector<64x1xf32>
    %eq3A_35 = vector.broadcast %broadcast_in_dim3A_34 : vector<64x1xf32> to vector<64x4096xf32>
    %eq3A_36 = arith.cmpf oeq, %select_n3A_31, %eq3A_35 : vector<64x4096xf32>
    %jit3A_37 = arith.constant 4096 : i32
    %broadcast_in_dim3A_38 = vector.broadcast %jit3A_37 : i32 to vector<64x4096xi32>
    %select_n3A_39 = arith.select %eq3A_36, %iota3A, %broadcast_in_dim3A_38 : vector<64x4096xi1>, vector<64x4096xi32>
    %reduce_min3A_40 = arith.constant dense<2147483647> : vector<64xi32>
    %reduce_min3A_41 = vector.multi_reduction <minsi>, %select_n3A_39, %reduce_min3A_40 [1] : vector<64x4096xi32> to vector<64xi32>
    %broadcast_in_dim3A_42 = vector.shape_cast %reduce_min3A_41 : vector<64xi32> to vector<64x1xi32>
    %eq3A_43 = vector.broadcast %broadcast_in_dim3A_42 : vector<64x1xi32> to vector<64x4096xi32>
    %eq3A_44 = arith.cmpi eq, %iota3A, %eq3A_43 : vector<64x4096xi32>
    %jit3A_45 = arith.constant 1.000000e+30 : f32
    %broadcast_in_dim3A_46 = vector.broadcast %jit3A_45 : f32 to vector<64x4096xf32>
    %select_n3A_47 = arith.select %eq3A_44, %broadcast_in_dim3A_46, %select_n3A_31 : vector<64x4096xi1>, vector<64x4096xf32>
    %reduce_min3A_48 = arith.constant dense<0x7F800000> : vector<64xf32>
    %reduce_min3A_49 = vector.multi_reduction <minimumf>, %select_n3A_47, %reduce_min3A_48 [1] : vector<64x4096xf32> to vector<64xf32>
    %broadcast_in_dim3A_50 = vector.shape_cast %reduce_min3A_49 : vector<64xf32> to vector<64x1xf32>
    %eq3A_51 = vector.broadcast %broadcast_in_dim3A_50 : vector<64x1xf32> to vector<64x4096xf32>
    %eq3A_52 = arith.cmpf oeq, %select_n3A_47, %eq3A_51 : vector<64x4096xf32>
    %jit3A_53 = arith.constant 4096 : i32
    %broadcast_in_dim3A_54 = vector.broadcast %jit3A_53 : i32 to vector<64x4096xi32>
    %select_n3A_55 = arith.select %eq3A_52, %iota3A, %broadcast_in_dim3A_54 : vector<64x4096xi1>, vector<64x4096xi32>
    %reduce_min3A_56 = arith.constant dense<2147483647> : vector<64xi32>
    %reduce_min3A_57 = vector.multi_reduction <minsi>, %select_n3A_55, %reduce_min3A_56 [1] : vector<64x4096xi32> to vector<64xi32>
    %broadcast_in_dim3A_58 = vector.shape_cast %reduce_min3A_57 : vector<64xi32> to vector<64x1xi32>
    %add3A_59 = arith.constant 9.99999993E-9 : f32
    %add3A_60 = vector.broadcast %add3A_59 : f32 to vector<64x1xf32>
    %add3A_61 = arith.addf %broadcast_in_dim3A_21, %add3A_60 : vector<64x1xf32>
    %div3A = arith.constant 1.000000e+00 : f32
    %div3A_62 = vector.broadcast %div3A : f32 to vector<64x1xf32>
    %div3A_63 = arith.divf %div3A_62, %add3A_61 : vector<64x1xf32>
    %add3A_64 = arith.constant 9.99999993E-9 : f32
    %add3A_65 = vector.broadcast %add3A_64 : f32 to vector<64x1xf32>
    %add3A_66 = arith.addf %broadcast_in_dim3A_34, %add3A_65 : vector<64x1xf32>
    %div3A_67 = arith.constant 1.000000e+00 : f32
    %div3A_68 = vector.broadcast %div3A_67 : f32 to vector<64x1xf32>
    %div3A_69 = arith.divf %div3A_68, %add3A_66 : vector<64x1xf32>
    %add3A_70 = arith.constant 9.99999993E-9 : f32
    %add3A_71 = vector.broadcast %add3A_70 : f32 to vector<64x1xf32>
    %add3A_72 = arith.addf %broadcast_in_dim3A_50, %add3A_71 : vector<64x1xf32>
    %div3A_73 = arith.constant 1.000000e+00 : f32
    %div3A_74 = vector.broadcast %div3A_73 : f32 to vector<64x1xf32>
    %div3A_75 = arith.divf %div3A_74, %add3A_72 : vector<64x1xf32>
    %add3A_76 = arith.addf %div3A_63, %div3A_69 : vector<64x1xf32>
    %add3A_77 = arith.addf %add3A_76, %div3A_75 : vector<64x1xf32>
    %broadcast_in_dim3A_78 = arith.constant 0.000000e+00 : f32
    %broadcast_in_dim3A_79 = vector.broadcast %broadcast_in_dim3A_78 : f32 to vector<64x4096xf32>
    %eq3A_80 = vector.broadcast %broadcast_in_dim3A_26 : vector<64x1xi32> to vector<64x4096xi32>
    %eq3A_81 = arith.cmpi eq, %iota3A, %eq3A_80 : vector<64x4096xi32>
    %div3A_82 = arith.divf %div3A_63, %add3A_77 : vector<64x1xf32>
    %jit3A_83 = arith.constant 0.000000e+00 : f32
    %broadcast_in_dim3A_84 = vector.shape_cast %div3A_82 : vector<64x1xf32> to vector<64x1xf32>
    %broadcast_in_dim3A_85 = vector.broadcast %broadcast_in_dim3A_84 : vector<64x1xf32> to vector<64x4096xf32>
    %broadcast_in_dim3A_86 = vector.broadcast %jit3A_83 : f32 to vector<64x4096xf32>
    %select_n3A_87 = arith.select %eq3A_81, %broadcast_in_dim3A_85, %broadcast_in_dim3A_86 : vector<64x4096xi1>, vector<64x4096xf32>
    %add3A_88 = arith.addf %broadcast_in_dim3A_79, %select_n3A_87 : vector<64x4096xf32>
    %eq3A_89 = vector.broadcast %broadcast_in_dim3A_42 : vector<64x1xi32> to vector<64x4096xi32>
    %eq3A_90 = arith.cmpi eq, %iota3A, %eq3A_89 : vector<64x4096xi32>
    %div3A_91 = arith.divf %div3A_69, %add3A_77 : vector<64x1xf32>
    %jit3A_92 = arith.constant 0.000000e+00 : f32
    %broadcast_in_dim3A_93 = vector.shape_cast %div3A_91 : vector<64x1xf32> to vector<64x1xf32>
    %broadcast_in_dim3A_94 = vector.broadcast %broadcast_in_dim3A_93 : vector<64x1xf32> to vector<64x4096xf32>
    %broadcast_in_dim3A_95 = vector.broadcast %jit3A_92 : f32 to vector<64x4096xf32>
    %select_n3A_96 = arith.select %eq3A_90, %broadcast_in_dim3A_94, %broadcast_in_dim3A_95 : vector<64x4096xi1>, vector<64x4096xf32>
    %add3A_97 = arith.addf %add3A_88, %select_n3A_96 : vector<64x4096xf32>
    %eq3A_98 = vector.broadcast %broadcast_in_dim3A_58 : vector<64x1xi32> to vector<64x4096xi32>
    %eq3A_99 = arith.cmpi eq, %iota3A, %eq3A_98 : vector<64x4096xi32>
    %div3A_100 = arith.divf %div3A_75, %add3A_77 : vector<64x1xf32>
    %jit3A_101 = arith.constant 0.000000e+00 : f32
    %broadcast_in_dim3A_102 = vector.shape_cast %div3A_100 : vector<64x1xf32> to vector<64x1xf32>
    %broadcast_in_dim3A_103 = vector.broadcast %broadcast_in_dim3A_102 : vector<64x1xf32> to vector<64x4096xf32>
    %broadcast_in_dim3A_104 = vector.broadcast %jit3A_101 : f32 to vector<64x4096xf32>
    %select_n3A_105 = arith.select %eq3A_99, %broadcast_in_dim3A_103, %broadcast_in_dim3A_104 : vector<64x4096xi1>, vector<64x4096xf32>
    %add3A_106 = arith.addf %add3A_97, %select_n3A_105 : vector<64x4096xf32>
    %dot_general3A_107 = arith.constant dense<0.000000e+00> : vector<64x128xf32>
    %dot_general3A_108 = tpu.matmul %add3A_106, %get3A_7, %dot_general3A_107 {dimension_numbers = #tpu.dot_dimension_numbers<[1], [0], [0], [1], [0, 0, 1, 1], [], []>, transpose_lhs_hint = false} : vector<64x4096xf32>, vector<4096x128xf32>, vector<64x128xf32> -> vector<64x128xf32>
    %swap3A = arith.constant 0 : index
    %swap3A_109 = arith.constant 0 : index
    %swap3A_110 = vector.load %arg4[%swap3A, %swap3A_109] : memref<64x128xf32, #tpu.memory_space<vmem>>, vector<64x128xf32>
    tpu.vector_store %arg4[%swap3A, %swap3A_109], %dot_general3A_108 {strides = array<i32>} : memref<64x128xf32, #tpu.memory_space<vmem>>, vector<64x128xf32>,
    return
  }
  func.func @transform_0(%arg0: i32) -> (i32, i32) {
    %c0_i32 = arith.constant 0 : i32
    %c0_i32_0 = arith.constant 0 : i32
    return %arg0, %c0_i32 : i32, i32
  }
  func.func @transform_1(%arg0: i32) -> (i32, i32) {
    %c0_i32 = arith.constant 0 : i32
    %c0_i32_0 = arith.constant 0 : i32
    %c0_i32_1 = arith.constant 0 : i32
    return %c0_i32, %c0_i32_0 : i32, i32
  }
  func.func @transform_2(%arg0: i32) -> (i32, i32) {
    %c0_i32 = arith.constant 0 : i32
    %c0_i32_0 = arith.constant 0 : i32
    %c0_i32_1 = arith.constant 0 : i32
    return %c0_i32, %c0_i32_0 : i32, i32
  }
  func.func @transform_3(%arg0: i32) -> (i32, i32) {
    %c0_i32 = arith.constant 0 : i32
    %c0_i32_0 = arith.constant 0 : i32
    return %arg0, %c0_i32 : i32, i32
  }
}

module attributes {stable_mosaic.version = 14 : i64} {
  func.func @_mlp_body(%arg0: i32, %arg1: memref<134x2048xf32, #tpu.memory_space<vmem>>, %arg2: memref<128x134xf32, #tpu.memory_space<vmem>>, %arg3: memref<128x1xf32, #tpu.memory_space<vmem>>, %arg4: memref<128x128xf32, #tpu.memory_space<vmem>>, %arg5: memref<128x1xf32, #tpu.memory_space<vmem>>, %arg6: memref<128x128xf32, #tpu.memory_space<vmem>>, %arg7: memref<128x1xf32, #tpu.memory_space<vmem>>, %arg8: memref<128x2048xf32, #tpu.memory_space<vmem>>) attributes {dimension_semantics = [#tpu.dimension_semantics<arbitrary>], iteration_bounds = array<i64: 4>, scalar_prefetch = 0 : i64, scratch_operands = 0 : i64, tpu.core_type = #tpu.core_type<tc>, window_params = [{transform_indices = @transform_0, window_bounds = array<i64: 134, 2048>}, {pipeline_mode = #tpu.pipeline_mode<synchronous>, transform_indices = @transform_1, window_bounds = array<i64: 128, 134>}, {pipeline_mode = #tpu.pipeline_mode<synchronous>, transform_indices = @transform_2, window_bounds = array<i64: 128, 1>}, {pipeline_mode = #tpu.pipeline_mode<synchronous>, transform_indices = @transform_3, window_bounds = array<i64: 128, 128>}, {pipeline_mode = #tpu.pipeline_mode<synchronous>, transform_indices = @transform_4, window_bounds = array<i64: 128, 1>}, {pipeline_mode = #tpu.pipeline_mode<synchronous>, transform_indices = @transform_5, window_bounds = array<i64: 128, 128>}, {pipeline_mode = #tpu.pipeline_mode<synchronous>, transform_indices = @transform_6, window_bounds = array<i64: 128, 1>}, {transform_indices = @transform_7, window_bounds = array<i64: 128, 2048>}]} {
    %get3A = arith.constant 0 : index
    %get3A_0 = arith.constant 0 : index
    %get3A_1 = vector.load %arg1[%get3A, %get3A_0] : memref<134x2048xf32, #tpu.memory_space<vmem>>, vector<134x2048xf32>
    %get3A_2 = arith.constant 0 : index
    %get3A_3 = arith.constant 0 : index
    %get3A_4 = vector.load %arg2[%get3A_2, %get3A_3] : memref<128x134xf32, #tpu.memory_space<vmem>>, vector<128x134xf32>
    %dot_general3A = arith.constant dense<0.000000e+00> : vector<128x2048xf32>
    %dot_general3A_5 = tpu.matmul %get3A_4, %get3A_1, %dot_general3A {dimension_numbers = #tpu.dot_dimension_numbers<[1], [0], [0], [1], [0, 0, 1, 1], [], []>, transpose_lhs_hint = false} : vector<128x134xf32>, vector<134x2048xf32>, vector<128x2048xf32> -> vector<128x2048xf32>
    %get3A_6 = arith.constant 0 : index
    %get3A_7 = arith.constant 0 : index
    %get3A_8 = vector.load %arg3[%get3A_6, %get3A_7] : memref<128x1xf32, #tpu.memory_space<vmem>>, vector<128x1xf32>
    %add3A = vector.broadcast %get3A_8 : vector<128x1xf32> to vector<128x2048xf32>
    %add3A_9 = arith.addf %dot_general3A_5, %add3A : vector<128x2048xf32>
    %max3A = arith.constant 0.000000e+00 : f32
    %max3A_10 = vector.broadcast %max3A : f32 to vector<128x2048xf32>
    %max3A_11 = arith.maximumf %add3A_9, %max3A_10 : vector<128x2048xf32>
    %get3A_12 = arith.constant 0 : index
    %get3A_13 = arith.constant 0 : index
    %get3A_14 = vector.load %arg4[%get3A_12, %get3A_13] : memref<128x128xf32, #tpu.memory_space<vmem>>, vector<128x128xf32>
    %dot_general3A_15 = arith.constant dense<0.000000e+00> : vector<128x2048xf32>
    %dot_general3A_16 = tpu.matmul %get3A_14, %max3A_11, %dot_general3A_15 {dimension_numbers = #tpu.dot_dimension_numbers<[1], [0], [0], [1], [0, 0, 1, 1], [], []>, transpose_lhs_hint = false} : vector<128x128xf32>, vector<128x2048xf32>, vector<128x2048xf32> -> vector<128x2048xf32>
    %get3A_17 = arith.constant 0 : index
    %get3A_18 = arith.constant 0 : index
    %get3A_19 = vector.load %arg5[%get3A_17, %get3A_18] : memref<128x1xf32, #tpu.memory_space<vmem>>, vector<128x1xf32>
    %add3A_20 = vector.broadcast %get3A_19 : vector<128x1xf32> to vector<128x2048xf32>
    %add3A_21 = arith.addf %dot_general3A_16, %add3A_20 : vector<128x2048xf32>
    %max3A_22 = arith.constant 0.000000e+00 : f32
    %max3A_23 = vector.broadcast %max3A_22 : f32 to vector<128x2048xf32>
    %max3A_24 = arith.maximumf %add3A_21, %max3A_23 : vector<128x2048xf32>
    %get3A_25 = arith.constant 0 : index
    %get3A_26 = arith.constant 0 : index
    %get3A_27 = vector.load %arg6[%get3A_25, %get3A_26] : memref<128x128xf32, #tpu.memory_space<vmem>>, vector<128x128xf32>
    %dot_general3A_28 = arith.constant dense<0.000000e+00> : vector<128x2048xf32>
    %dot_general3A_29 = tpu.matmul %get3A_27, %max3A_24, %dot_general3A_28 {dimension_numbers = #tpu.dot_dimension_numbers<[1], [0], [0], [1], [0, 0, 1, 1], [], []>, transpose_lhs_hint = false} : vector<128x128xf32>, vector<128x2048xf32>, vector<128x2048xf32> -> vector<128x2048xf32>
    %get3A_30 = arith.constant 0 : index
    %get3A_31 = arith.constant 0 : index
    %get3A_32 = vector.load %arg7[%get3A_30, %get3A_31] : memref<128x1xf32, #tpu.memory_space<vmem>>, vector<128x1xf32>
    %add3A_33 = vector.broadcast %get3A_32 : vector<128x1xf32> to vector<128x2048xf32>
    %add3A_34 = arith.addf %dot_general3A_29, %add3A_33 : vector<128x2048xf32>
    %max3A_35 = arith.constant 0.000000e+00 : f32
    %max3A_36 = vector.broadcast %max3A_35 : f32 to vector<128x2048xf32>
    %max3A_37 = arith.maximumf %add3A_34, %max3A_36 : vector<128x2048xf32>
    %swap3A = arith.constant 0 : index
    %swap3A_38 = arith.constant 0 : index
    %swap3A_39 = vector.load %arg8[%swap3A, %swap3A_38] : memref<128x2048xf32, #tpu.memory_space<vmem>>, vector<128x2048xf32>
    tpu.vector_store %arg8[%swap3A, %swap3A_38], %max3A_37 {strides = array<i32>} : memref<128x2048xf32, #tpu.memory_space<vmem>>, vector<128x2048xf32>,
    return
  }
  func.func @transform_0(%arg0: i32) -> (i32, i32) {
    %c0_i32 = arith.constant 0 : i32
    %c0_i32_0 = arith.constant 0 : i32
    return %c0_i32, %arg0 : i32, i32
  }
  func.func @transform_1(%arg0: i32) -> (i32, i32) {
    %c0_i32 = arith.constant 0 : i32
    %c0_i32_0 = arith.constant 0 : i32
    %c0_i32_1 = arith.constant 0 : i32
    return %c0_i32, %c0_i32_0 : i32, i32
  }
  func.func @transform_2(%arg0: i32) -> (i32, i32) {
    %c0_i32 = arith.constant 0 : i32
    %c0_i32_0 = arith.constant 0 : i32
    %c0_i32_1 = arith.constant 0 : i32
    return %c0_i32, %c0_i32_0 : i32, i32
  }
  func.func @transform_3(%arg0: i32) -> (i32, i32) {
    %c0_i32 = arith.constant 0 : i32
    %c0_i32_0 = arith.constant 0 : i32
    %c0_i32_1 = arith.constant 0 : i32
    return %c0_i32, %c0_i32_0 : i32, i32
  }
  func.func @transform_4(%arg0: i32) -> (i32, i32) {
    %c0_i32 = arith.constant 0 : i32
    %c0_i32_0 = arith.constant 0 : i32
    %c0_i32_1 = arith.constant 0 : i32
    return %c0_i32, %c0_i32_0 : i32, i32
  }
  func.func @transform_5(%arg0: i32) -> (i32, i32) {
    %c0_i32 = arith.constant 0 : i32
    %c0_i32_0 = arith.constant 0 : i32
    %c0_i32_1 = arith.constant 0 : i32
    return %c0_i32, %c0_i32_0 : i32, i32
  }
  func.func @transform_6(%arg0: i32) -> (i32, i32) {
    %c0_i32 = arith.constant 0 : i32
    %c0_i32_0 = arith.constant 0 : i32
    %c0_i32_1 = arith.constant 0 : i32
    return %c0_i32, %c0_i32_0 : i32, i32
  }
  func.func @transform_7(%arg0: i32) -> (i32, i32) {
    %c0_i32 = arith.constant 0 : i32
    %c0_i32_0 = arith.constant 0 : i32
    return %c0_i32, %arg0 : i32, i32
  }
}

module attributes {stable_mosaic.version = 14 : i64} {
  func.func @_head_body(%arg0: i32, %arg1: memref<3x2048xf32, #tpu.memory_space<vmem>>, %arg2: memref<16x2048xf32, #tpu.memory_space<vmem>>, %arg3: memref<128x2048xf32, #tpu.memory_space<vmem>>, %arg4: memref<128x3xf32, #tpu.memory_space<vmem>>, %arg5: memref<128x16xf32, #tpu.memory_space<vmem>>, %arg6: memref<128x128xf32, #tpu.memory_space<vmem>>, %arg7: memref<128x1xf32, #tpu.memory_space<vmem>>, %arg8: memref<64x3xf32, #tpu.memory_space<vmem>>, %arg9: memref<64x16xf32, #tpu.memory_space<vmem>>, %arg10: memref<64x128xf32, #tpu.memory_space<vmem>>, %arg11: memref<64x1xf32, #tpu.memory_space<vmem>>, %arg12: memref<1x3xf32, #tpu.memory_space<vmem>>, %arg13: memref<1x16xf32, #tpu.memory_space<vmem>>, %arg14: memref<1x64xf32, #tpu.memory_space<vmem>>, %arg15: memref<1x1xf32, #tpu.memory_space<vmem>>, %arg16: memref<1x2048xf32, #tpu.memory_space<vmem>>) attributes {dimension_semantics = [#tpu.dimension_semantics<arbitrary>], iteration_bounds = array<i64: 4>, scalar_prefetch = 0 : i64, scratch_operands = 0 : i64, tpu.core_type = #tpu.core_type<tc>, window_params = [{transform_indices = @transform_0, window_bounds = array<i64: 3, 2048>}, {transform_indices = @transform_1, window_bounds = array<i64: 16, 2048>}, {transform_indices = @transform_2, window_bounds = array<i64: 128, 2048>}, {pipeline_mode = #tpu.pipeline_mode<synchronous>, transform_indices = @transform_3, window_bounds = array<i64: 128, 3>}, {pipeline_mode = #tpu.pipeline_mode<synchronous>, transform_indices = @transform_4, window_bounds = array<i64: 128, 16>}, {pipeline_mode = #tpu.pipeline_mode<synchronous>, transform_indices = @transform_5, window_bounds = array<i64: 128, 128>}, {pipeline_mode = #tpu.pipeline_mode<synchronous>, transform_indices = @transform_6, window_bounds = array<i64: 128, 1>}, {pipeline_mode = #tpu.pipeline_mode<synchronous>, transform_indices = @transform_7, window_bounds = array<i64: 64, 3>}, {pipeline_mode = #tpu.pipeline_mode<synchronous>, transform_indices = @transform_8, window_bounds = array<i64: 64, 16>}, {pipeline_mode = #tpu.pipeline_mode<synchronous>, transform_indices = @transform_9, window_bounds = array<i64: 64, 128>}, {pipeline_mode = #tpu.pipeline_mode<synchronous>, transform_indices = @transform_10, window_bounds = array<i64: 64, 1>}, {pipeline_mode = #tpu.pipeline_mode<synchronous>, transform_indices = @transform_11, window_bounds = array<i64: 1, 3>}, {pipeline_mode = #tpu.pipeline_mode<synchronous>, transform_indices = @transform_12, window_bounds = array<i64: 1, 16>}, {pipeline_mode = #tpu.pipeline_mode<synchronous>, transform_indices = @transform_13, window_bounds = array<i64: 1, 64>}, {pipeline_mode = #tpu.pipeline_mode<synchronous>, transform_indices = @transform_14, window_bounds = array<i64: 1, 1>}, {transform_indices = @transform_15, window_bounds = array<i64: 1, 2048>}]} {
    %get3A = arith.constant 0 : index
    %get3A_0 = arith.constant 0 : index
    %get3A_1 = vector.load %arg1[%get3A, %get3A_0] : memref<3x2048xf32, #tpu.memory_space<vmem>>, vector<3x2048xf32>
    %get3A_2 = arith.constant 0 : index
    %get3A_3 = arith.constant 0 : index
    %get3A_4 = vector.load %arg2[%get3A_2, %get3A_3] : memref<16x2048xf32, #tpu.memory_space<vmem>>, vector<16x2048xf32>
    %get3A_5 = arith.constant 0 : index
    %get3A_6 = arith.constant 0 : index
    %get3A_7 = vector.load %arg3[%get3A_5, %get3A_6] : memref<128x2048xf32, #tpu.memory_space<vmem>>, vector<128x2048xf32>
    %get3A_8 = arith.constant 0 : index
    %get3A_9 = arith.constant 0 : index
    %get3A_10 = vector.load %arg4[%get3A_8, %get3A_9] : memref<128x3xf32, #tpu.memory_space<vmem>>, vector<128x3xf32>
    %dot_general3A = arith.constant dense<0.000000e+00> : vector<128x2048xf32>
    %dot_general3A_11 = tpu.matmul %get3A_10, %get3A_1, %dot_general3A {dimension_numbers = #tpu.dot_dimension_numbers<[1], [0], [0], [1], [0, 0, 1, 1], [], []>, transpose_lhs_hint = false} : vector<128x3xf32>, vector<3x2048xf32>, vector<128x2048xf32> -> vector<128x2048xf32>
    %get3A_12 = arith.constant 0 : index
    %get3A_13 = arith.constant 0 : index
    %get3A_14 = vector.load %arg5[%get3A_12, %get3A_13] : memref<128x16xf32, #tpu.memory_space<vmem>>, vector<128x16xf32>
    %dot_general3A_15 = arith.constant dense<0.000000e+00> : vector<128x2048xf32>
    %dot_general3A_16 = tpu.matmul %get3A_14, %get3A_4, %dot_general3A_15 {dimension_numbers = #tpu.dot_dimension_numbers<[1], [0], [0], [1], [0, 0, 1, 1], [], []>, transpose_lhs_hint = false} : vector<128x16xf32>, vector<16x2048xf32>, vector<128x2048xf32> -> vector<128x2048xf32>
    %add3A = arith.addf %dot_general3A_11, %dot_general3A_16 : vector<128x2048xf32>
    %get3A_17 = arith.constant 0 : index
    %get3A_18 = arith.constant 0 : index
    %get3A_19 = vector.load %arg6[%get3A_17, %get3A_18] : memref<128x128xf32, #tpu.memory_space<vmem>>, vector<128x128xf32>
    %dot_general3A_20 = arith.constant dense<0.000000e+00> : vector<128x2048xf32>
    %dot_general3A_21 = tpu.matmul %get3A_19, %get3A_7, %dot_general3A_20 {dimension_numbers = #tpu.dot_dimension_numbers<[1], [0], [0], [1], [0, 0, 1, 1], [], []>, transpose_lhs_hint = false} : vector<128x128xf32>, vector<128x2048xf32>, vector<128x2048xf32> -> vector<128x2048xf32>
    %add3A_22 = arith.addf %add3A, %dot_general3A_21 : vector<128x2048xf32>
    %get3A_23 = arith.constant 0 : index
    %get3A_24 = arith.constant 0 : index
    %get3A_25 = vector.load %arg7[%get3A_23, %get3A_24] : memref<128x1xf32, #tpu.memory_space<vmem>>, vector<128x1xf32>
    %add3A_26 = vector.broadcast %get3A_25 : vector<128x1xf32> to vector<128x2048xf32>
    %add3A_27 = arith.addf %add3A_22, %add3A_26 : vector<128x2048xf32>
    %get3A_28 = arith.constant 0 : index
    %get3A_29 = arith.constant 0 : index
    %get3A_30 = vector.load %arg8[%get3A_28, %get3A_29] : memref<64x3xf32, #tpu.memory_space<vmem>>, vector<64x3xf32>
    %dot_general3A_31 = arith.constant dense<0.000000e+00> : vector<64x2048xf32>
    %dot_general3A_32 = tpu.matmul %get3A_30, %get3A_1, %dot_general3A_31 {dimension_numbers = #tpu.dot_dimension_numbers<[1], [0], [0], [1], [0, 0, 1, 1], [], []>, transpose_lhs_hint = false} : vector<64x3xf32>, vector<3x2048xf32>, vector<64x2048xf32> -> vector<64x2048xf32>
    %get3A_33 = arith.constant 0 : index
    %get3A_34 = arith.constant 0 : index
    %get3A_35 = vector.load %arg9[%get3A_33, %get3A_34] : memref<64x16xf32, #tpu.memory_space<vmem>>, vector<64x16xf32>
    %dot_general3A_36 = arith.constant dense<0.000000e+00> : vector<64x2048xf32>
    %dot_general3A_37 = tpu.matmul %get3A_35, %get3A_4, %dot_general3A_36 {dimension_numbers = #tpu.dot_dimension_numbers<[1], [0], [0], [1], [0, 0, 1, 1], [], []>, transpose_lhs_hint = false} : vector<64x16xf32>, vector<16x2048xf32>, vector<64x2048xf32> -> vector<64x2048xf32>
    %add3A_38 = arith.addf %dot_general3A_32, %dot_general3A_37 : vector<64x2048xf32>
    %get3A_39 = arith.constant 0 : index
    %get3A_40 = arith.constant 0 : index
    %get3A_41 = vector.load %arg10[%get3A_39, %get3A_40] : memref<64x128xf32, #tpu.memory_space<vmem>>, vector<64x128xf32>
    %dot_general3A_42 = arith.constant dense<0.000000e+00> : vector<64x2048xf32>
    %dot_general3A_43 = tpu.matmul %get3A_41, %add3A_27, %dot_general3A_42 {dimension_numbers = #tpu.dot_dimension_numbers<[1], [0], [0], [1], [0, 0, 1, 1], [], []>, transpose_lhs_hint = false} : vector<64x128xf32>, vector<128x2048xf32>, vector<64x2048xf32> -> vector<64x2048xf32>
    %add3A_44 = arith.addf %add3A_38, %dot_general3A_43 : vector<64x2048xf32>
    %get3A_45 = arith.constant 0 : index
    %get3A_46 = arith.constant 0 : index
    %get3A_47 = vector.load %arg11[%get3A_45, %get3A_46] : memref<64x1xf32, #tpu.memory_space<vmem>>, vector<64x1xf32>
    %add3A_48 = vector.broadcast %get3A_47 : vector<64x1xf32> to vector<64x2048xf32>
    %add3A_49 = arith.addf %add3A_44, %add3A_48 : vector<64x2048xf32>
    %get3A_50 = arith.constant 0 : index
    %get3A_51 = arith.constant 0 : index
    %get3A_52 = vector.load %arg12[%get3A_50, %get3A_51] : memref<1x3xf32, #tpu.memory_space<vmem>>, vector<1x3xf32>
    %dot_general3A_53 = arith.constant dense<0.000000e+00> : vector<1x2048xf32>
    %dot_general3A_54 = tpu.matmul %get3A_52, %get3A_1, %dot_general3A_53 {dimension_numbers = #tpu.dot_dimension_numbers<[1], [0], [0], [1], [0, 0, 1, 1], [], []>, transpose_lhs_hint = false} : vector<1x3xf32>, vector<3x2048xf32>, vector<1x2048xf32> -> vector<1x2048xf32>
    %get3A_55 = arith.constant 0 : index
    %get3A_56 = arith.constant 0 : index
    %get3A_57 = vector.load %arg13[%get3A_55, %get3A_56] : memref<1x16xf32, #tpu.memory_space<vmem>>, vector<1x16xf32>
    %dot_general3A_58 = arith.constant dense<0.000000e+00> : vector<1x2048xf32>
    %dot_general3A_59 = tpu.matmul %get3A_57, %get3A_4, %dot_general3A_58 {dimension_numbers = #tpu.dot_dimension_numbers<[1], [0], [0], [1], [0, 0, 1, 1], [], []>, transpose_lhs_hint = false} : vector<1x16xf32>, vector<16x2048xf32>, vector<1x2048xf32> -> vector<1x2048xf32>
    %add3A_60 = arith.addf %dot_general3A_54, %dot_general3A_59 : vector<1x2048xf32>
    %get3A_61 = arith.constant 0 : index
    %get3A_62 = arith.constant 0 : index
    %get3A_63 = vector.load %arg14[%get3A_61, %get3A_62] : memref<1x64xf32, #tpu.memory_space<vmem>>, vector<1x64xf32>
    %dot_general3A_64 = arith.constant dense<0.000000e+00> : vector<1x2048xf32>
    %dot_general3A_65 = tpu.matmul %get3A_63, %add3A_49, %dot_general3A_64 {dimension_numbers = #tpu.dot_dimension_numbers<[1], [0], [0], [1], [0, 0, 1, 1], [], []>, transpose_lhs_hint = false} : vector<1x64xf32>, vector<64x2048xf32>, vector<1x2048xf32> -> vector<1x2048xf32>
    %add3A_66 = arith.addf %add3A_60, %dot_general3A_65 : vector<1x2048xf32>
    %get3A_67 = arith.constant 0 : index
    %get3A_68 = arith.constant 0 : index
    %get3A_69 = vector.load %arg15[%get3A_67, %get3A_68] : memref<1x1xf32, #tpu.memory_space<vmem>>, vector<1x1xf32>
    %add3A_70 = vector.broadcast %get3A_69 : vector<1x1xf32> to vector<1x2048xf32>
    %add3A_71 = arith.addf %add3A_66, %add3A_70 : vector<1x2048xf32>
    %swap3A = arith.constant 0 : index
    %swap3A_72 = arith.constant 0 : index
    %swap3A_73 = vector.load %arg16[%swap3A, %swap3A_72] : memref<1x2048xf32, #tpu.memory_space<vmem>>, vector<1x2048xf32>
    tpu.vector_store %arg16[%swap3A, %swap3A_72], %add3A_71 {strides = array<i32>} : memref<1x2048xf32, #tpu.memory_space<vmem>>, vector<1x2048xf32>,
    return
  }
  func.func @transform_0(%arg0: i32) -> (i32, i32) {
    %c0_i32 = arith.constant 0 : i32
    %c0_i32_0 = arith.constant 0 : i32
    return %c0_i32, %arg0 : i32, i32
  }
  func.func @transform_1(%arg0: i32) -> (i32, i32) {
    %c0_i32 = arith.constant 0 : i32
    %c0_i32_0 = arith.constant 0 : i32
    return %c0_i32, %arg0 : i32, i32
  }
  func.func @transform_2(%arg0: i32) -> (i32, i32) {
    %c0_i32 = arith.constant 0 : i32
    %c0_i32_0 = arith.constant 0 : i32
    return %c0_i32, %arg0 : i32, i32
  }
  func.func @transform_3(%arg0: i32) -> (i32, i32) {
    %c0_i32 = arith.constant 0 : i32
    %c0_i32_0 = arith.constant 0 : i32
    %c0_i32_1 = arith.constant 0 : i32
    return %c0_i32, %c0_i32_0 : i32, i32
  }
  func.func @transform_4(%arg0: i32) -> (i32, i32) {
    %c0_i32 = arith.constant 0 : i32
    %c0_i32_0 = arith.constant 0 : i32
    %c0_i32_1 = arith.constant 0 : i32
    return %c0_i32, %c0_i32_0 : i32, i32
  }
  func.func @transform_5(%arg0: i32) -> (i32, i32) {
    %c0_i32 = arith.constant 0 : i32
    %c0_i32_0 = arith.constant 0 : i32
    %c0_i32_1 = arith.constant 0 : i32
    return %c0_i32, %c0_i32_0 : i32, i32
  }
  func.func @transform_6(%arg0: i32) -> (i32, i32) {
    %c0_i32 = arith.constant 0 : i32
    %c0_i32_0 = arith.constant 0 : i32
    %c0_i32_1 = arith.constant 0 : i32
    return %c0_i32, %c0_i32_0 : i32, i32
  }
  func.func @transform_7(%arg0: i32) -> (i32, i32) {
    %c0_i32 = arith.constant 0 : i32
    %c0_i32_0 = arith.constant 0 : i32
    %c0_i32_1 = arith.constant 0 : i32
    return %c0_i32, %c0_i32_0 : i32, i32
  }
  func.func @transform_8(%arg0: i32) -> (i32, i32) {
    %c0_i32 = arith.constant 0 : i32
    %c0_i32_0 = arith.constant 0 : i32
    %c0_i32_1 = arith.constant 0 : i32
    return %c0_i32, %c0_i32_0 : i32, i32
  }
  func.func @transform_9(%arg0: i32) -> (i32, i32) {
    %c0_i32 = arith.constant 0 : i32
    %c0_i32_0 = arith.constant 0 : i32
    %c0_i32_1 = arith.constant 0 : i32
    return %c0_i32, %c0_i32_0 : i32, i32
  }
  func.func @transform_10(%arg0: i32) -> (i32, i32) {
    %c0_i32 = arith.constant 0 : i32
    %c0_i32_0 = arith.constant 0 : i32
    %c0_i32_1 = arith.constant 0 : i32
    return %c0_i32, %c0_i32_0 : i32, i32
  }
  func.func @transform_11(%arg0: i32) -> (i32, i32) {
    %c0_i32 = arith.constant 0 : i32
    %c0_i32_0 = arith.constant 0 : i32
    %c0_i32_1 = arith.constant 0 : i32
    return %c0_i32, %c0_i32_0 : i32, i32
  }
  func.func @transform_12(%arg0: i32) -> (i32, i32) {
    %c0_i32 = arith.constant 0 : i32
    %c0_i32_0 = arith.constant 0 : i32
    %c0_i32_1 = arith.constant 0 : i32
    return %c0_i32, %c0_i32_0 : i32, i32
  }
  func.func @transform_13(%arg0: i32) -> (i32, i32) {
    %c0_i32 = arith.constant 0 : i32
    %c0_i32_0 = arith.constant 0 : i32
    %c0_i32_1 = arith.constant 0 : i32
    return %c0_i32, %c0_i32_0 : i32, i32
  }
  func.func @transform_14(%arg0: i32) -> (i32, i32) {
    %c0_i32 = arith.constant 0 : i32
    %c0_i32_0 = arith.constant 0 : i32
    %c0_i32_1 = arith.constant 0 : i32
    return %c0_i32, %c0_i32_0 : i32, i32
  }
  func.func @transform_15(%arg0: i32) -> (i32, i32) {
    %c0_i32 = arith.constant 0 : i32
    %c0_i32_0 = arith.constant 0 : i32
    return %c0_i32, %arg0 : i32, i32
  }
}

</mosaic_0001>

<sc_bundles>
// kernel: gather_offload_async_start
scs
__scs_entry_jumppad:
0x0: {  	(pc) =	sbr.rel $0x88, $3  }
0x1: {  	(tag) =	ssettag $0x0;
	lr =	simm.s32 $0x1  }
0x2: {  	[smem:$0x3F59] =	sst lr;
	_ =	strace $0xD0000000  }
0x3: {  	_ = 	snop  }
0x4: {  	_ = 	snop  }
0x5: {  	_ = 	snop  }
0x6: {  	_ = 	snop  }
0x7: {  	_ = 	snop  }
__scs_overlays_trampoline_lowered:
0x8: {  	[smem:$0x3F68] =	sst s0  }
0x9: {  	[smem:$0x3F69] =	sst s1  }
0xa: {  	[smem:$0x3F6A] =	sst s2  }
0xb: {  	[smem:$0x3F6B] =	sst s3  }
0xc: {  	[smem:$0x3F6C] =	sst s4  }
0xd: {  	[smem:$0x3F6D] =	sst s5  }
0xe: {  	[smem:$0x3F6E] =	sst s6  }
0xf: {  	[smem:$0x3F6F] =	sst s7  }
0x10: {  	[smem:$0x3F70] =	sst s8  }
0x11: {  	[smem:$0x3F71] =	sst s9;
	s0 =	simm.s32 @!p0 $0x0  }
0x12: {  	s1 =	sld [smem:$0x3F57];
	s0 =	simm.s32 @p0 $0x1  }
0x13: {  	[smem:$0x3F72] =	sst s0;
	s0 =	simm.s32 @!p1 $0x0  }
0x14: {  	s2 =	sld [smem:$0x3F56];
	s0 =	simm.s32 @p1 $0x1  }
0x15: {  	[smem:$0x3F73] =	sst s0;
	s0 =	simm.s32 @!p2 $0x0  }
0x16: {  	s3 =	sld [smem:$0x3FDB];
	s0 =	simm.s32 @p2 $0x1  }
0x17: {  	s4 =	simm.s32 $0x1BF5;
	[smem:$0x3F75] =	sst s0  }
0x18: {  	s0 =	sld [smem:$0x3F58];
	_ =	swait.ge [sflag:s4], $0x0  }
0x19: {  	s7 =	sld [smem:$0x3F59]  }
0x1a: {  	s8 =	sadd.s32 $0xFFFFE003, lr  }
0x1b: {  	s9 =	sadd.s32 $0xFFFFFEF7, lr;
	s5 =	simm.s32 $0xFFFFFFFF;
	p2 =	slt.u32 s8, $0xFFFFF086  }
0x1c: {  	p1 =	slt.u32 s9, $0xF7A;
	s5 =	simm.s32 @!p2 $0x0  }
0x1d: {  	s5 =	simm.s32 @p1 $0x1;
	p0 =	seq.s32 s7, s2  }
0x1e: {  	s7 =	smul.u32 @!p0 $0xF7A, s2;
	p2 =	seq.s32 @!p0 s5, $0x0  }
0x1f: {  	s9 =	smul.u32 $0xF7A, s1;
	s8 =	simm.s32 @!p0 $0x1BF5;
	p2 =	por !p2, p0  }
0x20: {  	[sflag:s8] =	ssyncset.s32 @!p0 $0xFFFFF086;
	s6 =	sadd.s32 @!p0 s3, s7;
	s7 =	simm.s32 @!p0 $0x108  }
0x21: {  	s3 =	sadd.s32 s3, s9;
	s6 =	sadd.s32 @!p0 $0x88, s6;
	s7 =	simm.s32 @p2 $0x1082  }
0x22: {  	[simem:s7], [sflag:s8] =	dma.local @!p0 [hbm:s6], $0xF7A  }
0x23: {  	s9 =	sor.u32 $0xD0000000, s2;
	s6 =	simm.s32 $0x108;
	_ =	swait.ge @!p0 [sflag:s8], $0x0  }
0x24: {  	s3 =	sadd.s32 $0x88, s3;
	s6 =	simm.s32 @!p1 $0x1082;
	[sflag:s4] =	ssyncset.s32 $0xFFFFF086  }
0x25: {  	[simem:s6], [sflag:s4] =	dma.local [hbm:s3], $0xF7A  }
0x26: {  	[smem:$0x3F59] =	sst s1;
	(tag) =	ssettag s2;
	_ =	strace s9  }
0x27: {  	s1 =	sld [smem:$0x3F69]  }
0x28: {  	s2 =	sld [smem:$0x3F6A]  }
0x29: {  	s4 =	sld [smem:$0x3F6C]  }
0x2a: {  	p0 =	seq.s32 s5, $0x0;
	s5 =	sld [smem:$0x3F6D]  }
0x2b: {  	s6 =	sld [smem:$0x3F6E]  }
0x2c: {  	s7 =	sld [smem:$0x3F6F]  }
0x2d: {  	s3 =	simm.s32 $0x108;
	s8 =	sld [smem:$0x3F70]  }
0x2e: {  	s3 =	simm.s32 @!p0 $0x1082;
	s9 =	sld [smem:$0x3F71]  }
0x2f: {  	lr =	sadd.s32 s0, s3;
	s0 =	sld [smem:$0x3F68]  }
0x30: {  	s3 =	sld [smem:$0x3F6B]  }
0x31: {  	[smem:$0x3F74] =	sst s10  }
0x32: {  	s10 =	sld [smem:$0x3F72];
	_ =	sdelay $0x3  }
0x33: {  	p0 =	seq.s32 s10, $0x1;
	s10 =	sld [smem:$0x3F74];
	_ =	sdelay $0x3  }
0x34: {  	[smem:$0x3F74] =	sst s10  }
0x35: {  	s10 =	sld [smem:$0x3F73];
	_ =	sdelay $0x3  }
0x36: {  	p1 =	seq.s32 s10, $0x1;
	s10 =	sld [smem:$0x3F74];
	_ =	sdelay $0x3  }
0x37: {  	[smem:$0x3F74] =	sst s10  }
0x38: {  	s10 =	sld [smem:$0x3F75]  }
0x39: {  	_ = 	snop;
	(pc) =	sbr.ind lr, $3  }
0x3a: {  	_ = 	snop  }
0x3b: {  	_ = 	snop  }
0x3c: {  	p2 =	seq.s32 s10, $0x1;
	s10 =	sld [smem:$0x3F74]  }
0x3d: {  	_ =	shalt  }
0x3e: {  	_ =	shalt  }
0x3f: {  	_ =	shalt  }
0x40: {  	_ =	shalt  }
0x41: {  	_ =	shalt  }
0x42: {  	_ =	shalt  }
0x43: {  	_ =	shalt  }
0x44: {  	_ =	shalt  }
0x45: {  	_ =	shalt  }
0x46: {  	_ =	shalt  }
0x47: {  	_ =	shalt  }
0x48: {  	_ =	shalt  }
0x49: {  	_ =	shalt  }
0x4a: {  	_ =	shalt  }
0x4b: {  	_ =	shalt  }
0x4c: {  	_ =	shalt  }
0x4d: {  	_ =	shalt  }
0x4e: {  	_ =	shalt  }
0x4f: {  	_ =	shalt  }
0x50: {  	_ =	shalt  }
0x51: {  	_ =	shalt  }
0x52: {  	_ =	shalt  }
0x53: {  	_ =	shalt  }
0x54: {  	_ =	shalt  }
0x55: {  	_ =	shalt  }
0x56: {  	_ =	shalt  }
0x57: {  	_ =	shalt  }
0x58: {  	_ =	shalt  }
0x59: {  	_ =	shalt  }
0x5a: {  	_ =	shalt  }
0x5b: {  	_ =	shalt  }
0x5c: {  	_ =	shalt  }
0x5d: {  	_ =	shalt  }
0x5e: {  	_ =	shalt  }
0x5f: {  	_ =	shalt  }
0x60: {  	_ =	shalt  }
0x61: {  	_ =	shalt  }
0x62: {  	_ =	shalt  }
0x63: {  	_ =	shalt  }
0x64: {  	_ =	shalt  }
0x65: {  	_ =	shalt  }
0x66: {  	_ =	shalt  }
0x67: {  	_ =	shalt  }
0x68: {  	_ =	shalt  }
0x69: {  	_ =	shalt  }
0x6a: {  	_ =	shalt  }
0x6b: {  	_ =	shalt  }
0x6c: {  	_ =	shalt  }
0x6d: {  	_ =	shalt  }
0x6e: {  	_ =	shalt  }
0x6f: {  	_ =	shalt  }
0x70: {  	_ =	shalt  }
0x71: {  	_ =	shalt  }
0x72: {  	_ =	shalt  }
0x73: {  	_ =	shalt  }
0x74: {  	_ =	shalt  }
0x75: {  	_ =	shalt  }
0x76: {  	_ =	shalt  }
0x77: {  	_ =	shalt  }
0x78: {  	_ =	shalt  }
0x79: {  	_ =	shalt  }
0x7a: {  	_ =	shalt  }
0x7b: {  	_ =	shalt  }
0x7c: {  	_ =	shalt  }
0x7d: {  	_ =	shalt  }
0x7e: {  	_ =	shalt  }
0x7f: {  	_ =	shalt  }
0x80: {  	_ =	shalt  }
0x81: {  	_ =	shalt  }
0x82: {  	_ =	shalt  }
0x83: {  	_ =	shalt  }
0x84: {  	_ =	shalt  }
0x85: {  	_ =	shalt  }
0x86: {  	_ =	shalt  }
0x87: {  	_ =	shalt  }
.Lfunc_end0:
.L_simem_size_0:
called_computation.1_lowered:
.L_overlay_start_0:
0x88: {  	s2 =	sld [smem:$0x3FD9]  }
0x89: {  	s3 =	sld [smem:$0x3FFE];
	_ =	sdelay $0x1  }
0x8a: {  	s1 =	srdreg.scid  }
0x8b: {  	s0 =	sand.u32 $0x1, s1  }
0x8c: {  	s16 =	sshll.u32 s0, $0xA;
	s2 =	sadd.s32 s3, s2  }
0x8d: {  	s2 =	sadd.s32 s2, s16  }
0x8e: {  	[smem:$0x3F80] =	sst s2  }
0x8f: {  	_ = 	snop  }
0x90: {  	(tm) =	ssettm $0x1  }
0x91: {  	s17 =	sld [smem:$0x3FFB];
	_ =	sdelay $0x3  }
0x92: {  	_ =	strace s17  }
0x93: {  	s2 =	sld [smem:$0x3FFC];
	_ =	sdelay $0x3  }
0x94: {  	_ =	strace s2  }
0x95: {  	s2 =	sld [smem:$0x3FFD];
	_ =	sdelay $0x3  }
0x96: {  	_ =	strace s2  }
0x97: {  	_ =	strace $0x8FFFFFFF  }
0x98: {  	s18 =	sld [smem:$0x3FDB];
	_ =	sdelay $0x1  }
0x99: {  	s19 =	simm.s32 $_scs_section_size  }
0x9a: {  	s4 =	simm.s32 $_size__tile_overlayer_lowered;
	s5 =	simm.s32 $_tile_overlayer_lowered  }
0x9b: {  	s22 =	simm.s32 $0x1BFF;
	s21 =	sshll.u32 s5, $0x1;
	s2 =	sadd.s32 s19, s18  }
0x9c: {  	s6 =	simm.s32 $0x0;
	s20 =	sshll.u32 s4, $0x1;
	s4 =	sadd.s32 s21, s2  }
0x9d: {  	[timem:s6], [sflag:s22] =	dma.local [hbm:s4], s20  }
0x9e: {  	_ =	swait.ge [sflag:s22], s20  }
0x9f: {  	s3 =	ssub.s32 $0x0, s20;
	[sflag:s22] =	ssyncset.done $0x0  }
0xa0: {  	[sflag:s22] =	ssyncadd.s32 s3;
	_ =	sdelay $0x1  }
0xa1: {  	s23 =	simm.s32 $0x1B8B  }
0xa2: {  	_ =	swait.ge [sflag:s23], $0x1  }
0xa3: {  	[sflag:s23] =	ssyncset.done $0x0  }
0xa4: {  	s25 =	simm.s32 $0x1B8E;
	s24 =	sld [smem:$0x3FFE];
	[sflag:s23] =	ssyncadd.s32 $0xFFFFFFFF  }
0xa5: {  	s26 =	simm.s32 $execute0_lowered;
	[smem:$0x3FD2] =	sst s25  }
0xa6: {  	s4 =	sshll.u32 s26, $0x1;
	_ =	strace $0x80000046;
	[dreg:$0x1] =	wrdreg $0xFFFFFFFF  }
0xa7: {  	s28 =	simm.s32 $_size_execute0_lowered;
	s2 =	sadd.s32 s2, s4;
	[dreg:$0x0] =	wrdreg $0x0  }
0xa8: {  	s4 =	sshll.u32 s28, $0x1;
	[dreg:$0x2] =	wrdreg s2  }
0xa9: {  	[dreg:$0x3] =	wrdreg s4  }
0xaa: {  	[dreg:$0x4] =	wrdreg $0xC0  }
0xab: {  	_ =	task [dreg:s6], $0x5FFFF  }
0xac: {  	[dreg:$0x1] =	wrdreg $0xFFFFFFFF  }
0xad: {  	[dreg:$0x0] =	wrdreg $0x60  }
0xae: {  	[dreg:$0x2] =	wrdreg s24  }
0xaf: {  	[dreg:$0x3] =	wrdreg $0x9  }
0xb0: {  	_ =	task.clear_ibuf [dreg:s6], $0x4FFFF;
	_ =	strace $0x90000046  }
0xb1: {  	s29 =	simm.s32 $0x9;
	_ =	strace $0x80000048  }
0xb2: {  	_ =	swait.ge [sflag:s29], $0x1  }
0xb3: {  	[sflag:s29] =	ssyncadd.s32 $0xFFFFFFFF  }
0xb4: {  	_ =	strace $0x90000048  }
0xb5: {  	_ =	sfence  }
0xb6: {  	s30 =	sld [smem:$0x0];
	_ =	sdelay $0x2  }
0xb7: {  	s31 =	sshll.u32 s1, $0xD;
	s1 =	sshrl.u32 s1, $0x2  }
0xb8: {  	s3 =	sand.u32 $0x4000, s31;
	s1 =	sadd.s32 s1, s30  }
0xb9: {  	s0 =	sor.u32 s3, s0;
	s1 =	sshll.u32 s1, $0x11  }
0xba: {  	s0 =	sor.u32 s1, s0  }
0xbb: {  	s0 =	sadd.s32 $0x8F2B, s0  }
0xbc: {  	[sflag:s0] =	ssyncadd.remote.s32 $0x1  }
0xbd: {  	_ =	sfence.sel $0xFFFF  }
0xbe: {  	[dreg:$0x0] =	wrdreg $0xFFFFFFFF;
	(pc) =	sbr.abs _section_cstart, $3  }
0xbf: {  	[dreg:$0x1] =	wrdreg $0xFFFFFFFF  }
0xc0: {  	_ =	task.clear_ibuf [dreg:s6], $0x2FFFF;
	_ =	strace $0x9FFFFFFF  }
0xc1: {  	(tm) =	ssettm $0x7FFFFFFF  }
tec
execute0_lowered:
.L_overlay_start_1:
0x0: {  	(tag) =	ssettag $0x1  }
0x1: {  	s7 =	rddreg [dreg:$0x0]  }
0x2: {  	s0 =	rddreg [dreg:$0x1];
	_ =	strace $0x80000047  }
0x3: {  	s1 =	srdreg.scid;
	s4 =	simm.s32 $0x1;
	s9 =	simm.s32 $0x3  }
0x4: {  	s12 =	simm.s32 $0x0;
	s10 =	simm.s32 $0x0;
	s5 =	sshll.u32 s1, $0x4  }
.Ltmp0:
0x5: {  	s1 =	stileid.u32;
	s5 =	sand.u32 $0x10, s5;
	(pc) =	sbr.rel .LBB2_1-.Ltmp0, $4  }
0x6: {  	s2 =	sadd.s32 $0x11000, s7;
	s3 =	sadd.s32 $0x31000, s7;
	s6 =	sor.u32 s1, s5  }
0x7: {  	[sflag:s4] =	ssyncpa.u1 $0x0;
	s5 =	simm.s32 $0x2;
	s6 =	sshll.u32 s6, $0x7  }
0x8: {  	s7 =	sadd.s32 $0x3F400, s7;
	[sflag:s5] =	ssyncpa.u1 $0x0;
	s8 =	sadd.s32 $0x80, s6  }
0x9: {  	vm0 =	vmmov $0xff;
	vm1 =	vcmask $0x3F20;
	[sflag:s9] =	ssyncpa.u1 $0x0;
	s9 =	simm.s32 $0x80;
	s11 =	smov.u32 s6  }
.LBB2_9:
0xa: {  	p0 =	seq.s32 s10, $0x2  }
.Ltmp1:
0xb: {  	_ = 	snop;
	(pc) =	sbr.rel @p0 .LBB2_11-.Ltmp1, $1  }
0xc: {  	_ =	sdelay $0x3  }
.LBB2_10:
0xd: {  	s12 =	sadd.s32 $0x80, s11  }
0xe: {  	s13 =	smov.u32 s6;
	p0 =	slt.s32 s12, s8  }
0xf: {  	s13 =	smov.u32 @p0 s12  }
0x10: {  	s10 =	sadd.s32 $0x1, s10;
	s12 =	smov.u32 s11;
	s11 =	smov.u32 s13  }
.LBB2_1:
0x11: {  	p0 =	sne.s32 s10, $0x0  }
.Ltmp2:
0x12: {  	_ = 	snop;
	(pc) =	sbr.rel @!p0 .LBB2_2-.Ltmp2, $1  }
0x13: {  	_ =	sdelay $0x3  }
0x14: {  	s13 =	sand.u32 $0x1, s10  }
0x15: {  	p0 =	seq.s32 s13, $0x0  }
.Ltmp3:
0x16: {  	_ = 	snop;
	(pc) =	sbr.rel @p0 .LBB2_9-.Ltmp3, $1  }
0x17: {  	_ =	sdelay $0x3  }
0x18: {  	_ =	swait.ge [sflag:s5], $0x80  }
0x19: {  	[sflag:s5] =	ssyncset.done $0x0  }
0x1a: {  	s13 =	simm.s32 $0x0;
	[sflag:s5] =	ssyncadd.s32 $0xFFFFFF80  }
0x1b: {  	v0 =	vld.msk [tilespmem:s13+$0x80 ss:$0x1], $0xffff;
	_ =	sdelay $0x4  }
0x1c: {  	vm2 =	vgt.s32 v0, $0x0  }
0x1d: {  	v0 =	vnsel vm2, $0x0, v0  }
0x1e: {  	v0 =	vmin.u32 v0, $0x1FFF  }
0x1f: {  	v0 =	vshll.u32 v0, $0x4;
	_ =	sdelay $0x3  }
0x20: {  	s13 =	simm.s32 $0x4100  }
0x21: {  	[tilespmem:s13], [sflag:$0x1] =	stream.indirect_vreg.gather [hbm:s2], $0x80, v0, vm0, $0x38;
	[tilespmem:$0x8100] =	vst v63  }
0x22: {  	s14 =	simm.s32 $0x4500;
	s31 =	simm.s32 $0x10  }
0x23: {  	[tilespmem:s14], [sflag:$0x1] =	stream.indirect_vreg.gather [hbm:s2], $0x80, v0, vm1, $0x38;
	[tilespmem:$0x8100] =	vst v63  }
0x24: {  	s14 =	simm.s32 $0x80;
	v0 =	vld.msk [tilespmem:s31+$0x80 ss:$0x1], $0xffff  }
.LBB2_5:
0x25: {  	p0 =	sne.s32 s14, $0x1C0;
	_ =	sdelay $0x4  }
0x26: {  	vm2 =	vgt.s32 v0, $0x0  }
0x27: {  	v0 =	vnsel vm2, $0x0, v0  }
0x28: {  	v0 =	vmin.u32 v0, $0x1FFF  }
0x29: {  	v0 =	vshll.u32 v0, $0x4;
	_ =	sdelay $0x3  }
.Ltmp4:
0x2a: {  	s13 =	sadd.s32 $0x800, s13;
	(pc) =	sbr.rel @p0 .LBB2_5-.Ltmp4, $4  }
0x2b: {  	[tilespmem:s13], [sflag:$0x1] =	stream.indirect_vreg.gather [hbm:s2], $0x80, v0, vm0, $0x38;
	[tilespmem:$0x8100] =	vst v63  }
0x2c: {  	s15 =	sshra.s32 s14, $0x2;
	s16 =	sadd.s32 $0x400, s13  }
0x2d: {  	[tilespmem:s16], [sflag:$0x1] =	stream.indirect_vreg.gather [hbm:s2], $0x80, v0, vm1, $0x38;
	[tilespmem:$0x8100] =	vst v63  }
0x2e: {  	s14 =	sadd.s32 $0x40, s14;
	v0 =	vld.msk [tilespmem:s15+$0x80 ss:$0x1], $0xffff  }
0x2f: {  	_ =	sdelay $0x3  }
0x30: {  	vm2 =	vgt.s32 v0, $0x0  }
0x31: {  	v0 =	vnsel vm2, $0x0, v0  }
0x32: {  	v0 =	vmin.u32 v0, $0x1FFF  }
0x33: {  	v0 =	vshll.u32 v0, $0x4;
	_ =	sdelay $0x3  }
0x34: {  	s13 =	sadd.s32 $0x800, s13  }
0x35: {  	[tilespmem:s13], [sflag:$0x1] =	stream.indirect_vreg.gather [hbm:s2], $0x80, v0, vm0, $0x38;
	[tilespmem:$0x8100] =	vst v63  }
0x36: {  	s13 =	sadd.s32 $0x400, s13  }
0x37: {  	[tilespmem:s13], [sflag:$0x1] =	stream.indirect_vreg.gather [hbm:s2], $0x80, v0, vm1, $0x38;
	[tilespmem:$0x8100] =	vst v63  }
0x38: {  	s12 =	sshll.u32 s12, $0x4;
	s14 =	simm.s32 $0x80;
	_ =	swait.ge [sflag:s4], $0x4000  }
0x39: {  	s15 =	simm.s32 $0x4500;
	s12 =	sadd.s32 s12, s7;
	[sflag:s4] =	ssyncset.done $0x0  }
0x3a: {  	s16 =	sadd.s32 $0x0, s12;
	s13 =	simm.s32 $0x4100;
	[sflag:s4] =	ssyncadd.s32 $0xFFFFC000  }
.LBB2_7:
0x3b: {  	[hbm:s16] =	stream.linear.scatter [tilespmem:s13], [sflag:$0x3], $0x400, $0x38;
	[tilespmem:$0x8100] =	vst v63  }
0x3c: {  	s16 =	smov.u32 s14;
	s13 =	smov.u32 s15;
	p0 =	sne.s32 s14, $0x780  }
.Ltmp5:
0x3d: {  	s14 =	sadd.s32 $0x80, s14;
	(pc) =	sbr.rel @p0 .LBB2_7-.Ltmp5, $2  }
0x3e: {  	_ =	sdelay $0x2  }
0x3f: {  	s15 =	sadd.s32 $0x400, s15;
	s16 =	sadd.s32 s16, s12  }
.Ltmp6:
0x40: {  	(pc) =	sbr.rel .LBB2_9-.Ltmp6, $2  }
0x41: {  	_ =	sdelay $0x2  }
0x42: {  	[hbm:s16] =	stream.linear.scatter [tilespmem:s13], [sflag:$0x3], $0x400, $0x38;
	[tilespmem:$0x8100] =	vst v63  }
.LBB2_2:
.Ltmp7:
0x43: {  	(pc) =	sbr.rel .LBB2_10-.Ltmp7, $4  }
0x44: {  	_ = 	snop  }
0x45: {  	s12 =	sshrl.u32 s11, $0x3  }
0x46: {  	s13 =	sand.u32 $0x7, s11;
	s12 =	sadd.s32 s3, s12  }
0x47: {  	[tilespmem:s9], [sflag:$0x2] =	stream.linear.gather [hbm4b:s12+s13], $0x80, $0x38;
	[tilespmem:$0x8100] =	vst v63  }
.LBB2_11:
0x48: {  	s2 =	simm.s32 $0x3  }
0x49: {  	_ =	swait.ge [sflag:s2], $0x4000  }
0x4a: {  	[sflag:s2] =	ssyncset.done $0x0  }
0x4b: {  	[sflag:s2] =	ssyncadd.s32 $0xFFFFC000  }
0x4c: {  	_ =	sfence.sel $0x180000  }
0x4d: {  	s3 =	simm.s32 $0x2;
	[bflag:$0x0] =	sbarrier.arrive $0xFFFF  }
0x4e: {  	[sflag:s3] =	ssyncpa.u1 $0x1  }
0x4f: {  	s31 =	simm.s32 $0x1;
	[sflag:s2] =	ssyncpa.u1 $0x1  }
0x50: {  	[sflag:s31] =	ssyncpa.u1 $0x1  }
0x51: {  	p0 =	sne.s32 s1, $0x0;
	_ =	strace $0x90000047  }
0x52: {  	s0 =	sadd.s32 @!p0 $0x100000, s0;
	[bflag:$0x2] =	sbarrier.arrive $0xFFFF  }
0x53: {  	[sflag:s0] =	ssyncadd.tile.s32 @!p0 $0x1;
	_ =	shalt  }
.Lfunc_end2:
_tile_overlayer_lowered:
.L_overlay_start_2:
0x54: {  	(tag) =	ssettag $0x2  }
0x55: {  	s0 =	rddreg [dreg:$0x0];
	s2 =	stileid.u32  }
0x56: {  	s1 =	rddreg [dreg:$0x1];
	p0 =	sne.s32 s2, $0x0  }
0x57: {  	s3 =	rddreg [dreg:$0x2];
	[bflag:$0x3] =	sbarrier.arrive $0xFFFF;
	s2 =	simm.s32 @!p0 $0x1C01  }
0x58: {  	[timem:s3], [sflag:s2] =	dma.local @!p0 [hbm:s0], s1  }
0x59: {  	s0 =	simm.s32 @!p0 $0x1  }
0x5a: {  	_ =	swait.ge @!p0 [sflag:s0], s1  }
0x5b: {  	s1 =	ssub.s32 @!p0 $0x0, s1;
	[sflag:s0] =	ssyncset.done @!p0 $0x0  }
0x5c: {  	[sflag:s0] =	ssyncadd.s32 @!p0 s1  }
0x5d: {  	[bflag:$0x3] =	sbarrier.arrive $0xFFFF  }
0x5e: {  	_ =	shalt  }

// kernel: sparse-core-data-format-call.cloned.1.call-start
scs
called_computation_lowered:
.L_overlay_start_0:
0x0: {  	s1 =	sld [smem:$0x3FD9]  }
0x1: {  	s2 =	sld [smem:$0x3FFE];
	_ =	sdelay $0x1  }
0x2: {  	s3 =	srdreg.scid  }
0x3: {  	s0 =	sand.u32 $0x1, s3  }
0x4: {  	s17 =	sshll.u32 s0, $0xA;
	s1 =	sadd.s32 s2, s1  }
0x5: {  	s1 =	sadd.s32 s1, s17  }
0x6: {  	[smem:$0x3F80] =	sst s1  }
0x7: {  	_ = 	snop  }
0x8: {  	(tm) =	ssettm $0x1  }
0x9: {  	s18 =	sld [smem:$0x3FFB];
	_ =	sdelay $0x3  }
0xa: {  	_ =	strace s18  }
0xb: {  	s1 =	sld [smem:$0x3FFC];
	_ =	sdelay $0x3  }
0xc: {  	_ =	strace s1  }
0xd: {  	s1 =	sld [smem:$0x3FFD];
	_ =	sdelay $0x3  }
0xe: {  	_ =	strace s1  }
0xf: {  	_ =	strace $0x8FFFFFFF  }
0x10: {  	s19 =	sld [smem:$0x3FDB];
	_ =	sdelay $0x1  }
0x11: {  	s20 =	simm.s32 $_scs_section_size  }
0x12: {  	s4 =	simm.s32 $_size__tile_overlayer_lowered;
	s5 =	simm.s32 $_tile_overlayer_lowered  }
0x13: {  	s23 =	simm.s32 $0x1BFF;
	s22 =	sshll.u32 s5, $0x1;
	s1 =	sadd.s32 s20, s19  }
0x14: {  	s6 =	simm.s32 $0x0;
	s21 =	sshll.u32 s4, $0x1;
	s4 =	sadd.s32 s22, s1  }
0x15: {  	[timem:s6], [sflag:s23] =	dma.local [hbm:s4], s21  }
0x16: {  	_ =	swait.ge [sflag:s23], s21  }
0x17: {  	s2 =	ssub.s32 $0x0, s21;
	[sflag:s23] =	ssyncset.done $0x0  }
0x18: {  	[sflag:s23] =	ssyncadd.s32 s2;
	_ =	sdelay $0x1  }
0x19: {  	s24 =	simm.s32 $0x1B8B  }
0x1a: {  	_ =	swait.ge [sflag:s24], $0x1  }
0x1b: {  	[sflag:s24] =	ssyncset.done $0x0  }
0x1c: {  	s26 =	simm.s32 $0x1B8E;
	s25 =	sld [smem:$0x3FFE];
	[sflag:s24] =	ssyncadd.s32 $0xFFFFFFFF  }
0x1d: {  	s27 =	simm.s32 $execute0_lowered;
	[smem:$0x3FD2] =	sst s26  }
0x1e: {  	s4 =	sshll.u32 s27, $0x1;
	_ =	strace $0x80000049;
	[dreg:$0x1] =	wrdreg $0xFFFFFFFF  }
0x1f: {  	s28 =	simm.s32 $_size_execute0_lowered;
	s1 =	sadd.s32 s1, s4;
	[dreg:$0x0] =	wrdreg $0x0  }
0x20: {  	s4 =	sshll.u32 s28, $0x1;
	[dreg:$0x2] =	wrdreg s1  }
0x21: {  	[dreg:$0x3] =	wrdreg s4  }
0x22: {  	[dreg:$0x4] =	wrdreg $0xC0  }
0x23: {  	_ =	task [dreg:s6], $0x5FFFF  }
0x24: {  	[dreg:$0x1] =	wrdreg $0xFFFFFFFF  }
0x25: {  	[dreg:$0x0] =	wrdreg $0x60  }
0x26: {  	[dreg:$0x2] =	wrdreg s25  }
0x27: {  	[dreg:$0x3] =	wrdreg $0x9  }
0x28: {  	_ =	task.clear_ibuf [dreg:s6], $0x4FFFF;
	_ =	strace $0x90000049  }
0x29: {  	s29 =	simm.s32 $0x9;
	_ =	strace $0x8000004B  }
0x2a: {  	_ =	swait.ge [sflag:s29], $0x1  }
0x2b: {  	[sflag:s29] =	ssyncadd.s32 $0xFFFFFFFF  }
0x2c: {  	_ =	strace $0x9000004B  }
0x2d: {  	_ =	sfence  }
0x2e: {  	s30 =	sld [smem:$0x0];
	_ =	sdelay $0x2  }
0x2f: {  	s31 =	sshll.u32 s3, $0xD;
	s3 =	sshrl.u32 s3, $0x2  }
0x30: {  	s2 =	sand.u32 $0x4000, s31;
	s1 =	sadd.s32 s3, s30  }
0x31: {  	s0 =	sor.u32 s2, s0;
	s1 =	sshll.u32 s1, $0x11  }
0x32: {  	s0 =	sor.u32 s1, s0  }
0x33: {  	s0 =	sadd.s32 $0x8F2B, s0  }
0x34: {  	[sflag:s0] =	ssyncadd.remote.s32 $0x1  }
0x35: {  	_ =	sfence.sel $0xFFFF  }
0x36: {  	[dreg:$0x0] =	wrdreg $0xFFFFFFFF;
	(pc) =	sbr.abs _section_cstart, $3  }
0x37: {  	[dreg:$0x1] =	wrdreg $0xFFFFFFFF  }
0x38: {  	_ =	task.clear_ibuf [dreg:s6], $0x2FFFF;
	_ =	strace $0x9FFFFFFF  }
0x39: {  	(tm) =	ssettm $0x7FFFFFFF  }
tec
execute0_lowered:
.L_overlay_start_1:
0x0: {  	(tag) =	ssettag $0x1  }
0x1: {  	s1 =	rddreg [dreg:$0x0]  }
0x2: {  	s0 =	rddreg [dreg:$0x1]  }
0x3: {  	s3 =	srdreg.scid;
	_ =	strace $0x8000004A;
	s5 =	simm.s32 $0x1  }
0x4: {  	s7 =	simm.s32 $0x2;
	s15 =	simm.s32 $0x0;
	p0 =	por $0x0, $0x0  }
0x5: {  	s13 =	simm.s32 $0x0;
	s14 =	simm.s32 $0x0;
	s10 =	simm.s32 $0x0  }
.Ltmp0:
0x6: {  	s11 =	stileid.u32;
	s3 =	sand.u32 $0x1, s3;
	(pc) =	sbr.rel .LBB1_1-.Ltmp0, $4  }
0x7: {  	s12 =	simm.s32 $0x0;
	s2 =	sadd.s32 $0x81C00, s1;
	s6 =	ssub.s32 $0x40, s3  }
0x8: {  	s4 =	sadd.s32 $0x181C00, s1;
	[sflag:s5] =	ssyncpa.u1 $0x0;
	s8 =	sshrl.u32 s6, $0x1  }
0x9: {  	s1 =	stileid.u32;
	[sflag:s7] =	ssyncpa.u1 $0x0;
	s6 =	ssub.s32 s6, s8  }
0xa: {  	s9 =	smov.u32 s3;
	s8 =	simm.s32 $0x20000;
	s7 =	sadd.s32 $0x1, s6  }
.LBB1_4:
0xb: {  	v5 =	vld [tilespmem:s18+$0xFFFFFFD0];
	[tilespmem:s19+$0x1040 ss:$0x41] =	vst.msk $0xffff, v1  }
0xc: {  	v58 =	vld [tilespmem:s18+$0xFFFFFFE0];
	[tilespmem:s19+$0x1450 ss:$0x41] =	vst.msk $0xffff, v2  }
0xd: {  	s20 =	sshra.s32 s20, $0x2;
	v59 =	vld [tilespmem:s18+$0xFFFFFFF0];
	[tilespmem:s19+$0x1860 ss:$0x41] =	vst.msk $0xffff, v3  }
0xe: {  	v60 =	vld [tilespmem:s18+$0x0];
	[tilespmem:s19+$0x0 ss:$0x41] =	vst.msk $0xffff, v0;
	s17 =	sadd.s32 s20, s17  }
0xf: {  	v61 =	vld [tilespmem:s18+$0x10];
	[tilespmem:s17+$0x1C70 ss:$0x41] =	vst.msk $0xffff, v4  }
0x10: {  	s15 =	sshll.u32 s15, $0x7;
	s27 =	sshll.u32 s13, $0x3;
	v62 =	vld [tilespmem:s18+$0x20];
	[tilespmem:s17+$0x410 ss:$0x41] =	vst.msk $0xffff, v5  }
0x11: {  	v63 =	vld [tilespmem:s18+$0xFFFFFFC0];
	s28 =	sand.u32 $0x1C00, s15;
	s19 =	sand.u32 $0x1C00, s27;
	[tilespmem:s17+$0x820 ss:$0x41] =	vst.msk $0xffff, v58  }
0x12: {  	s14 =	sshll.u32 s14, $0xA;
	s15 =	sand.u32 $0x380, s15;
	s29 =	sadd.s32 s19, s28;
	[tilespmem:s17+$0xC30 ss:$0x41] =	vst.msk $0xffff, v59  }
0x13: {  	s30 =	sshrl.u32 s13, $0x3;
	s31 =	sand.u32 $0x7, s13;
	s15 =	sor.u32 s15, s29;
	[tilespmem:s17+$0x1040 ss:$0x41] =	vst.msk $0xffff, v60  }
0x14: {  	s18 =	sand.u32 $0xF, s30;
	s14 =	sadd.s32 s4, s14;
	s15 =	sshrl.u32 s15, $0x3;
	[tilespmem:s17+$0x1450 ss:$0x41] =	vst.msk $0xffff, v61  }
0x15: {  	s13 =	sshll.u32 s31, $0x12;
	s14 =	sadd.s32 s18, s14;
	[tilespmem:s17+$0x1860 ss:$0x41] =	vst.msk $0xffff, v62;
	s15 =	sand.u32 $0x3F0, s15  }
0x16: {  	s13 =	sor.u32 $0x40, s13;
	[tilespmem:s17+$0x0 ss:$0x41] =	vst.msk $0xffff, v63;
	s14 =	sadd.s32 s15, s14  }
0x17: {  	[hbm4b:s14+s13] =	stream.strided.scatter [tilespmem:s16], [sflag:$0x2], $0x2000, s8, s13, $0x18;
	[tilespmem:$0x8100] =	vst v63  }
.LBB1_5:
0x18: {  	s16 =	sadd.s32 $0x2, s9  }
0x19: {  	s13 =	sadd.s32 $0x40, s10;
	s17 =	smov.u32 s10;
	p2 =	sgt.s32 s16, $0x3F  }
0x1a: {  	s17 =	smov.u32 @p2 s13  }
0x1b: {  	s19 =	smov.u32 s11;
	s13 =	sadd.s32 $0x10, s11;
	p3 =	sgt.s32 s17, $0x3F  }
0x1c: {  	s19 =	smov.u32 @p3 s13  }
0x1d: {  	s16 =	smov.u32 @p2 s3;
	p2 =	sgt.s32 s19, $0xF  }
0x1e: {  	p1 =	slt.u32 s12, $0x2;
	s19 =	smov.u32 @p2 s1;
	p2 =	sne.s32 s12, s7  }
.Ltmp1:
0x1f: {  	s18 =	simm.s32 @!p1 $0x2;
	(pc) =	sbr.rel @!p2 .LBB1_6-.Ltmp1, $4  }
0x20: {  	s15 =	smov.u32 s9;
	s14 =	smov.u32 s11;
	_ =	swait.ge @!p1 [sflag:s18], $0x2000  }
0x21: {  	p0 =	por !p0, !p0;
	[sflag:s18] =	ssyncset.done @!p1 $0x0;
	s9 =	smov.u32 s16  }
0x22: {  	s17 =	simm.s32 @p3 $0x0;
	s13 =	smov.u32 s10;
	[sflag:s18] =	ssyncadd.s32 @!p1 $0xFFFFE000  }
0x23: {  	s10 =	smov.u32 s17;
	s12 =	sadd.s32 $0x1, s12;
	s11 =	smov.u32 s19  }
.LBB1_1:
0x24: {  	p1 =	sge.u32 s12, s6;
	s31 =	sadd.s32 $0xFFFFFFFF, s12  }
0x25: {  	s16 =	sxor.u32 @!p1 $0xFFFFFFFF, s12;
	s17 =	sshll.u32 @!p1 s11, $0x10;
	s18 =	sshll.u32 @!p1 s10, $0xA  }
0x26: {  	s19 =	sshll.u32 @!p1 s9, $0x4;
	s16 =	sshll.u32 @!p1 s16, $0xD;
	s17 =	sadd.s32 @!p1 s2, s17  }
0x27: {  	s19 =	sand.u32 @!p1 $0x3F0, s19;
	s16 =	sand.u32 @!p1 $0x2000, s16;
	s17 =	sadd.s32 @!p1 s18, s17  }
0x28: {  	s18 =	simm.s32 @!p1 $0x80;
	s17 =	sadd.s32 @!p1 s19, s17;
	s19 =	simm.s32 @!p1 $0x2000  }
0x29: {  	[tilespmem:s16], [sflag:$0x1] =	stream.strided.gather @!p1 [hbm4b:s17+s18], $0x2000, s19, s18, $0x38;
	[tilespmem:$0x8100] =	vst v63  }
0x2a: {  	p1 =	sge.u32 s31, s6  }
.Ltmp2:
0x2b: {  	_ = 	snop;
	(pc) =	sbr.rel @p1 .LBB1_5-.Ltmp2, $1  }
0x2c: {  	_ =	sdelay $0x3  }
0x2d: {  	s16 =	simm.s32 $0x1  }
0x2e: {  	_ =	swait.ge [sflag:s5], $0x2000;
	s16 =	simm.s32 @!p0 $0x0  }
0x2f: {  	[sflag:s5] =	ssyncset.done $0x0;
	s17 =	sshll.u32 s16, $0xD  }
0x30: {  	[sflag:s5] =	ssyncadd.s32 $0xFFFFE000;
	s18 =	sor.u32 $0x40, s17  }
0x31: {  	s16 =	smul.u32 $0x8200, s16;
	v0 =	vld [tilespmem:s18+$0x30]  }
0x32: {  	v3 =	vld [tilespmem:s18+$0xFFFFFFD0]  }
0x33: {  	s16 =	sshrl.u32 s16, $0x2;
	v4 =	vld [tilespmem:s18+$0xFFFFFFE0]  }
0x34: {  	v5 =	vld [tilespmem:s18+$0xFFFFFFF0];
	s17 =	sor.u32 $0x4000, s16  }
0x35: {  	s31 =	sand.u32 $0x1, s12;
	v1 =	vld [tilespmem:s18+$0x0];
	s19 =	sadd.s32 $0x0, s17  }
0x36: {  	v2 =	vld [tilespmem:s18+$0x10];
	s16 =	smul.u32 $0x8200, s31;
	[tilespmem:s19+$0x1C70 ss:$0x41] =	vst.msk $0xffff, v0  }
0x37: {  	[tilespmem:s19+$0x410 ss:$0x41] =	vst.msk $0xffff, v3;
	v3 =	vld [tilespmem:s18+$0x20]  }
0x38: {  	s16 =	sshrl.u32 s16, $0x2;
	v0 =	vld [tilespmem:s18+$0xFFFFFFC0];
	[tilespmem:s19+$0x820 ss:$0x41] =	vst.msk $0xffff, v4;
	s18 =	sadd.s32 $0x80, s18  }
0x39: {  	s20 =	simm.s32 $0x4;
	s21 =	simm.s32 $0x8;
	s16 =	sor.u32 $0x4000, s16;
	[tilespmem:s19+$0xC30 ss:$0x41] =	vst.msk $0xffff, v5;
	v4 =	vld [tilespmem:s18+$0x30]  }
.LBB1_3:
0x3a: {  	p1 =	sne.s32 s21, $0xFC;
	v5 =	vld [tilespmem:s18+$0xFFFFFFD0];
	[tilespmem:s19+$0x1040 ss:$0x41] =	vst.msk $0xffff, v1  }
0x3b: {  	v6 =	vld [tilespmem:s18+$0xFFFFFFE0];
	[tilespmem:s19+$0x1450 ss:$0x41] =	vst.msk $0xffff, v2  }
0x3c: {  	s22 =	sshra.s32 s20, $0x2;
	s20 =	smov.u32 s21;
	v7 =	vld [tilespmem:s18+$0xFFFFFFF0];
	[tilespmem:s19+$0x1860 ss:$0x41] =	vst.msk $0xffff, v3  }
.Ltmp3:
0x3d: {  	v1 =	vld [tilespmem:s18+$0x0];
	[tilespmem:s19+$0x0 ss:$0x41] =	vst.msk $0xffff, v0;
	s19 =	sadd.s32 s22, s17;
	(pc) =	sbr.rel @p1 .LBB1_3-.Ltmp3, $4  }
0x3e: {  	v2 =	vld [tilespmem:s18+$0x10];
	[tilespmem:s19+$0x1C70 ss:$0x41] =	vst.msk $0xffff, v4  }
0x3f: {  	[tilespmem:s19+$0x410 ss:$0x41] =	vst.msk $0xffff, v5;
	v3 =	vld [tilespmem:s18+$0x20]  }
0x40: {  	v0 =	vld [tilespmem:s18+$0xFFFFFFC0];
	[tilespmem:s19+$0x820 ss:$0x41] =	vst.msk $0xffff, v6;
	s18 =	sadd.s32 $0x80, s18  }
0x41: {  	s21 =	sadd.s32 $0x4, s21;
	v4 =	vld [tilespmem:s18+$0x30];
	[tilespmem:s19+$0xC30 ss:$0x41] =	vst.msk $0xffff, v7  }
.Ltmp4:
0x42: {  	_ = 	snop;
	(pc) =	sbr.rel .LBB1_4-.Ltmp4, $1  }
0x43: {  	_ =	sdelay $0x3  }
.LBB1_6:
0x44: {  	_ =	sfence.sel $0x180000  }
0x45: {  	s2 =	simm.s32 $0x1;
	[bflag:$0x0] =	sbarrier.arrive $0xFFFF  }
0x46: {  	s31 =	simm.s32 $0x2;
	[sflag:s2] =	ssyncpa.u1 $0x1  }
0x47: {  	[sflag:s31] =	ssyncpa.u1 $0x1  }
0x48: {  	p0 =	sne.s32 s1, $0x0;
	_ =	strace $0x9000004A  }
0x49: {  	s0 =	sadd.s32 @!p0 $0x100000, s0;
	[bflag:$0x2] =	sbarrier.arrive $0xFFFF  }
0x4a: {  	[sflag:s0] =	ssyncadd.tile.s32 @!p0 $0x1;
	_ =	shalt  }
.Lfunc_end1:
_tile_overlayer_lowered:
.L_overlay_start_2:
0x4b: {  	(tag) =	ssettag $0x2  }
0x4c: {  	s0 =	rddreg [dreg:$0x0];
	s2 =	stileid.u32  }
0x4d: {  	s1 =	rddreg [dreg:$0x1];
	p0 =	sne.s32 s2, $0x0  }
0x4e: {  	s3 =	rddreg [dreg:$0x2];
	[bflag:$0x3] =	sbarrier.arrive $0xFFFF;
	s2 =	simm.s32 @!p0 $0x1C01  }
0x4f: {  	[timem:s3], [sflag:s2] =	dma.local @!p0 [hbm:s0], s1  }
0x50: {  	s0 =	simm.s32 @!p0 $0x1  }
0x51: {  	_ =	swait.ge @!p0 [sflag:s0], s1  }
0x52: {  	s1 =	ssub.s32 @!p0 $0x0, s1;
	[sflag:s0] =	ssyncset.done @!p0 $0x0  }
0x53: {  	[sflag:s0] =	ssyncadd.s32 @!p0 s1  }
0x54: {  	[bflag:$0x3] =	sbarrier.arrive $0xFFFF  }
0x55: {  	_ =	shalt  }

</sc_bundles>
